<compile_context>
chip_gen: v7x
topology: tpu7x:2x2x1
jax: 0.10.2.dev20260603
libtpu: 0.0.44.dev20260713+nightly
codegen_flags: <defaults>
</compile_context>

<pallas_src>
import functools

import jax
import jax.numpy as jnp
from jax import lax
from jax.experimental import pallas as pl
from jax.experimental.pallas import tpu as pltpu
from jax.experimental.pallas import tpu_sc as plsc

N = 10000
E = 320000
D = 128

NC = 2
NS = 16
DH = D // NC
EPT = E // NS
CH = 80
NCHUNK = EPT // CH
NPRE = 1
NCPAD = NCHUNK + NPRE
EPTP = NCPAD * CH
N2 = 10240
NPT = N2 // NS

_mesh = plsc.VectorSubcoreMesh(
    core_axis_name="c", subcore_axis_name="s", num_cores=NC, num_subcores=NS)

_gdn = lax.GatherDimensionNumbers(
    offset_dims=(), collapsed_slice_dims=(0,), start_index_map=(0,))


def _splat(vec, l):
  idx = jnp.full((16,), l, dtype=jnp.int32)
  return lax.gather(vec, idx[:, None], _gdn, (1,),
                    mode=lax.GatherScatterMode.PROMISE_IN_BOUNDS)


@functools.partial(
    pl.kernel,
    out_type=jax.ShapeDtypeStruct((NC, N2, DH), jnp.float32),
    mesh=_mesh,
    scratch_types=[
        pltpu.VMEM((NCPAD, CH), jnp.int32),
        pltpu.VMEM((NCPAD, CH), jnp.int32),
        pltpu.VMEM((EPTP,), jnp.float32),
        pltpu.VMEM((CH, D), jnp.float32),
        pltpu.VMEM((CH, D), jnp.float32),
        pltpu.VMEM_SHARED((N2, DH), jnp.float32),
        pltpu.SemaphoreType.DMA,
        pltpu.SemaphoreType.DMA,
    ],
    compiler_params=pltpu.CompilerParams(use_tc_tiling_on_sc=False),
)
def _sc_segsum(hs_hbm, hfull_hbm, src_hbm, dst_hbm, attn_hbm, zeros_hbm, part_hbm,
               src_v, dst_v, attn_v, rows0_v, rows1_v,
               acc_sh, gsem, ssem):
  c = lax.axis_index("c")
  s = lax.axis_index("s")
  bufs = (rows0_v, rows1_v)

  pltpu.sync_copy(src_hbm.at[s], src_v)
  pltpu.sync_copy(dst_hbm.at[s], dst_v)
  pltpu.sync_copy(attn_hbm.at[s], attn_v)

  h_half = hfull_hbm

  def gather(i, buf):
    pltpu.async_copy(h_half.at[src_v.at[i]], buf, gsem)

  def scatter(i, buf):
    pltpu.async_copy(buf, acc_sh.at[dst_v.at[i]], ssem, add=True)

  def wait_gather():
    pltpu.make_async_copy(h_half.at[src_v.at[0]], rows0_v, gsem).wait()

  def wait_scatter():
    pltpu.make_async_copy(rows0_v, acc_sh.at[dst_v.at[0]], ssem).wait()

  def scale(i, buf):
    for g in range(CH // 16):
      a16 = attn_v[pl.ds(i * CH + g * 16, 16)]
      for l in range(16):
        asp = _splat(a16, l)
        e = g * 16 + l
        for j in range(DH // 16):
          buf[e, pl.ds(j * 16, 16)] = buf[e, pl.ds(j * 16, 16)] * asp

  gather(0, bufs[0])

  def body2(t, carry):
    for k in range(2):
      i = 2 * t + k
      wait_gather()

      gather(i + NPRE, bufs[(k + NPRE) % 2])
    return carry

  lax.fori_loop(0, NCHUNK // 2, body2, 0)
  wait_gather()
  plsc.subcore_barrier()

  pltpu.sync_copy(acc_sh.at[pl.ds(s * NPT, NPT)],
                  part_hbm.at[c, pl.ds(s * NPT, NPT)])


_ROWS = 400
_NBLK = N // _ROWS
_CN = (((1,), (1,)), ((), ()))


def _bi_compute(h, p0_ref, p1_ref, w1_ref, b1_ref, w2_ref, b2_ref):
  hn = jnp.concatenate([p0_ref[0], p1_ref[0]], axis=1)
  t1 = lax.dot_general(h + hn, w1_ref[...], _CN,
                       preferred_element_type=jnp.float32) + b1_ref[...]
  t2 = lax.dot_general(h * hn, w2_ref[...], _CN,
                       preferred_element_type=jnp.float32) + b2_ref[...]
  return (jnp.where(t1 > 0, t1, 0.01 * t1)
          + jnp.where(t2 > 0, t2, 0.01 * t2))


def _bi_mid_body(h_ref, p0_ref, p1_ref, w1_ref, b1_ref, w2_ref, b2_ref,
                 os_ref):
  out = _bi_compute(h_ref[...], p0_ref, p1_ref, w1_ref, b1_ref, w2_ref,
                    b2_ref)
  os_ref[0] = out[:, :DH]
  os_ref[1] = out[:, DH:]


def _bi_last_body(x_ref, h1s0_ref, h1s1_ref, p0_ref, p1_ref,
                  w1_ref, b1_ref, w2_ref, b2_ref, o_ref):
  h1 = jnp.concatenate([h1s0_ref[0], h1s1_ref[0]], axis=1)
  out = _bi_compute(h1, p0_ref, p1_ref, w1_ref, b1_ref, w2_ref, b2_ref)
  o_ref[:, :D] = x_ref[...]
  o_ref[:, D:2 * D] = h1
  o_ref[:, 2 * D:] = out


def _half_spec(c):
  return pl.BlockSpec((1, _ROWS, DH), lambda i, c=c: (c, i, 0))


_WSPEC = pl.BlockSpec((D, D), lambda i: (0, 0))
_BSPEC = pl.BlockSpec((1, D), lambda i: (0, 0))


def _bi_mid(h, part, w1, b1, w2, b2):
  return pl.pallas_call(
      _bi_mid_body,
      grid=(_NBLK,),
      in_specs=[pl.BlockSpec((_ROWS, D), lambda i: (i, 0)),
                _half_spec(0), _half_spec(1), _WSPEC, _BSPEC, _WSPEC, _BSPEC],
      out_specs=pl.BlockSpec((NC, _ROWS, DH), lambda i: (0, i, 0)),
      out_shape=jax.ShapeDtypeStruct((NC, N, DH), jnp.float32),
  )(h, part, part, w1, b1.reshape(1, D), w2, b2.reshape(1, D))


def _bi_last(x, h1s, part, w1, b1, w2, b2):
  return pl.pallas_call(
      _bi_last_body,
      grid=(_NBLK,),
      in_specs=[pl.BlockSpec((_ROWS, D), lambda i: (i, 0)),
                _half_spec(0), _half_spec(1),
                _half_spec(0), _half_spec(1), _WSPEC, _BSPEC, _WSPEC, _BSPEC],
      out_specs=pl.BlockSpec((_ROWS, 3 * D), lambda i: (i, 0)),
      out_shape=jax.ShapeDtypeStruct((N, 3 * D), jnp.float32),
  )(x, h1s, h1s, part, part, w1, b1.reshape(1, D), w2, b2.reshape(1, D))


def kernel(x, edge_index, edge_attn,
           W1_0, b1_0, W2_0, b2_0, W1_1, b1_1, W2_1, b2_1):
  pad = EPTP - EPT
  src = jnp.pad(edge_index[0].reshape(NS, EPT), ((0, 0), (0, pad))
                ).reshape(NS, NCPAD, CH)
  trash = N + (jnp.arange(NS * pad, dtype=jnp.int32) % (N2 - N)).reshape(NS, pad)
  dst = jnp.concatenate(
      [edge_index[1].reshape(NS, EPT), trash], axis=1).reshape(NS, NCPAD, CH)
  attn = jnp.pad(edge_attn.reshape(NS, EPT), ((0, 0), (0, pad))
                 ).reshape(NS, EPTP)
  zeros = jnp.zeros((CH, DH), jnp.float32)

  xs = x.reshape(N, NC, DH).transpose(1, 0, 2)

  part = _sc_segsum(xs, x, src, dst, attn, zeros)
  h1s = _bi_mid(x, part, W1_0, b1_0, W2_0, b2_0)
  part = _sc_segsum(h1s, x, src, dst, attn, zeros)
  return _bi_last(x, h1s, part, W1_1, b1_1, W2_1, b2_1)

# --- scband reference (transcript-rebuilt; emitter-appended) ---
"""Pipeline reference for scband-model-25812753449715 (READ-ONLY COPY).

The authoritative reference and input builder live on the scoring server;
editing this copy changes nothing except your own understanding.
"""

import jax, jax.numpy as jnp
import numpy as np

N = 10000
E = 320000
D = 128


def _xavier(key, shape):
    fan_in, fan_out = shape[1], shape[0]
    std = np.sqrt(2.0 / (fan_in + fan_out))
    return jax.random.normal(key, shape, dtype=jnp.float32) * std


def setup_inputs(seed: int = 0) -> dict:
    key = jax.random.key(seed)
    ks = jax.random.split(key, 12)
    x = jax.random.normal(ks[0], (N, D), dtype=jnp.float32)
    edge_index = jax.random.randint(ks[1], (2, E), 0, N, dtype=jnp.int32)
    edge_attn = jax.random.uniform(ks[2], (E,), dtype=jnp.float32)
    # KGATLayer 0 (bi-interaction): W1, W2 Linear(D, D)
    W1_0 = _xavier(ks[3], (D, D))
    b1_0 = jnp.zeros((D,), dtype=jnp.float32)
    W2_0 = _xavier(ks[4], (D, D))
    b2_0 = jnp.zeros((D,), dtype=jnp.float32)
    # KGATLayer 1
    W1_1 = _xavier(ks[5], (D, D))
    b1_1 = jnp.zeros((D,), dtype=jnp.float32)
    W2_1 = _xavier(ks[6], (D, D))
    b2_1 = jnp.zeros((D,), dtype=jnp.float32)
    return {
        "x": x,
        "edge_index": edge_index,
        "edge_attn": edge_attn,
        "W1_0": W1_0, "b1_0": b1_0, "W2_0": W2_0, "b2_0": b2_0,
        "W1_1": W1_1, "b1_1": b1_1, "W2_1": W2_1, "b2_1": b2_1,
    }


def _leaky_relu(v):
    return jnp.where(v > 0, v, 0.01 * v)


def _kgat_layer(h, src, dst, a, W1, b1, W2, b2):
    # update_all(u_mul_e('emb','a','m'), sum('m','h_n'))
    m = h[src] * a[:, None]
    h_n = jax.ops.segment_sum(m, dst, num_segments=N)
    # bi-interaction: act(W1(emb + h_n)) + act(W2(emb * h_n)); dropout p=0
    out = _leaky_relu((h + h_n) @ W1.T + b1) + _leaky_relu((h * h_n) @ W2.T + b2)
    return out


def reference(x, edge_index, edge_attn, W1_0, b1_0, W2_0, b2_0, W1_1, b1_1, W2_1, b2_1):
    src = edge_index[0]
    dst = edge_index[1]
    # Model.forward with full-graph blocks: output_nodes = all N nodes
    embs = [x]
    h = x
    h = _kgat_layer(h, src, dst, edge_attn, W1_0, b1_0, W2_0, b2_0)
    embs.append(h)
    h = _kgat_layer(h, src, dst, edge_attn, W1_1, b1_1, W2_1, b2_1)
    embs.append(h)
    return jnp.concatenate(embs, axis=1)

if __name__ == "__main__":
    import jax
    _d = setup_inputs()
    print(jax.jit(kernel)(*tuple(_d.values())))

</pallas_src>

<mosaic_0001>
#map = affine_map<(d0, d1) -> (0, 0, 0)>
#map1 = affine_map<(d0, d1) -> (0, 0)>
module attributes {stable_mosaic.version = 14 : i64} {
  func.func @_sc_segsum(%arg0: i32, %arg1: i32, %arg2: memref<2x10000x64xf32, #tpu.memory_space<hbm>>, %arg3: memref<10000x128xf32, #tpu.memory_space<hbm>>, %arg4: memref<16x251x80xi32, #tpu.memory_space<hbm>>, %arg5: memref<16x251x80xi32, #tpu.memory_space<hbm>>, %arg6: memref<16x20080xf32, #tpu.memory_space<hbm>>, %arg7: memref<80x64xf32, #tpu.memory_space<hbm>>, %arg8: memref<2x10240x64xf32, #tpu.memory_space<hbm>>, %arg9: memref<251x80xi32, #tpu.memory_space<vmem>>, %arg10: memref<251x80xi32, #tpu.memory_space<vmem>>, %arg11: memref<20080xf32, #tpu.memory_space<vmem>>, %arg12: memref<80x128xf32, #tpu.memory_space<vmem>>, %arg13: memref<80x128xf32, #tpu.memory_space<vmem>>, %arg14: memref<10240x64xf32, #tpu.memory_space<vmem_shared>>, %arg15: memref<!tpu.dma_semaphore, #tpu.memory_space<semaphore_mem>>, %arg16: memref<!tpu.dma_semaphore, #tpu.memory_space<semaphore_mem>>) attributes {dimension_semantics = [#tpu.dimension_semantics<core_parallel>, #tpu.dimension_semantics<subcore_parallel>], iteration_bounds = array<i64: 2, 16>, scalar_prefetch = 0 : i64, scratch_operands = 8 : i64, tpu.core_type = #tpu.core_type<sc_vector_subcore>, window_params = [{transform_indices = #map}, {transform_indices = #map1}, {transform_indices = #map}, {transform_indices = #map}, {transform_indices = #map1}, {transform_indices = #map1}, {transform_indices = #map}]} {
    "tpu.region"() ({
      %run_scoped3A = tpu.sem_alloc : memref<!tpu.dma_semaphore, #tpu.memory_space<semaphore_mem>>
      %dma_start3A_20 = arith.constant 0 : i32
      %dma_start3A_21 = arith.constant 0 : i32
      %dma_start3A_22 = tpu.memref_slice %arg4[%arg1, %dma_start3A_20, %dma_start3A_21] : memref<16x251x80xi32, #tpu.memory_space<hbm>> -> memref<1x251x80xi32, #tpu.memory_space<hbm>>
      %dma_start3A_23 = tpu.memref_squeeze %dma_start3A_22 : memref<1x251x80xi32, #tpu.memory_space<hbm>> -> memref<251x80xi32, #tpu.memory_space<hbm>>
      %dma_start3A_24 = arith.constant 0 : i32
      %dma_start3A_25 = arith.constant 0 : i32
      %dma_start3A_26 = tpu.memref_slice %arg4[%arg1, %dma_start3A_24, %dma_start3A_25] : memref<16x251x80xi32, #tpu.memory_space<hbm>> -> memref<1x251x80xi32, #tpu.memory_space<hbm>>
      %dma_start3A_27 = tpu.memref_squeeze %dma_start3A_26 : memref<1x251x80xi32, #tpu.memory_space<hbm>> -> memref<251x80xi32, #tpu.memory_space<hbm>>
      tpu.enqueue_dma source(%dma_start3A_27 : memref<251x80xi32, #tpu.memory_space<hbm>>) target(%arg9 : memref<251x80xi32, #tpu.memory_space<vmem>>) target_semaphore(%run_scoped3A : memref<!tpu.dma_semaphore, #tpu.memory_space<semaphore_mem>>)
      %dma_wait3A_28 = arith.constant 0 : i32
      %dma_wait3A_29 = arith.constant 0 : i32
      %dma_wait3A_30 = tpu.memref_slice %arg4[%arg1, %dma_wait3A_28, %dma_wait3A_29] : memref<16x251x80xi32, #tpu.memory_space<hbm>> -> memref<1x251x80xi32, #tpu.memory_space<hbm>>
      %dma_wait3A_31 = tpu.memref_squeeze %dma_wait3A_30 : memref<1x251x80xi32, #tpu.memory_space<hbm>> -> memref<251x80xi32, #tpu.memory_space<hbm>>
      %dma_wait3A_32 = arith.constant 0 : i32
      %dma_wait3A_33 = arith.constant 0 : i32
      %dma_wait3A_34 = tpu.memref_slice %arg4[%arg1, %dma_wait3A_32, %dma_wait3A_33] : memref<16x251x80xi32, #tpu.memory_space<hbm>> -> memref<1x251x80xi32, #tpu.memory_space<hbm>>
      %dma_wait3A_35 = tpu.memref_squeeze %dma_wait3A_34 : memref<1x251x80xi32, #tpu.memory_space<hbm>> -> memref<251x80xi32, #tpu.memory_space<hbm>>
      tpu.wait_dma2 semaphore(%run_scoped3A : memref<!tpu.dma_semaphore, #tpu.memory_space<semaphore_mem>>) src(%dma_wait3A_35 : memref<251x80xi32, #tpu.memory_space<hbm>>) dst(%arg9 : memref<251x80xi32, #tpu.memory_space<vmem>>)
      tpu.yield
    }) : () -> ()
    "tpu.region"() ({
      %run_scoped3A = tpu.sem_alloc : memref<!tpu.dma_semaphore, #tpu.memory_space<semaphore_mem>>
      %dma_start3A_20 = arith.constant 0 : i32
      %dma_start3A_21 = arith.constant 0 : i32
      %dma_start3A_22 = tpu.memref_slice %arg5[%arg1, %dma_start3A_20, %dma_start3A_21] : memref<16x251x80xi32, #tpu.memory_space<hbm>> -> memref<1x251x80xi32, #tpu.memory_space<hbm>>
      %dma_start3A_23 = tpu.memref_squeeze %dma_start3A_22 : memref<1x251x80xi32, #tpu.memory_space<hbm>> -> memref<251x80xi32, #tpu.memory_space<hbm>>
      %dma_start3A_24 = arith.constant 0 : i32
      %dma_start3A_25 = arith.constant 0 : i32
      %dma_start3A_26 = tpu.memref_slice %arg5[%arg1, %dma_start3A_24, %dma_start3A_25] : memref<16x251x80xi32, #tpu.memory_space<hbm>> -> memref<1x251x80xi32, #tpu.memory_space<hbm>>
      %dma_start3A_27 = tpu.memref_squeeze %dma_start3A_26 : memref<1x251x80xi32, #tpu.memory_space<hbm>> -> memref<251x80xi32, #tpu.memory_space<hbm>>
      tpu.enqueue_dma source(%dma_start3A_27 : memref<251x80xi32, #tpu.memory_space<hbm>>) target(%arg10 : memref<251x80xi32, #tpu.memory_space<vmem>>) target_semaphore(%run_scoped3A : memref<!tpu.dma_semaphore, #tpu.memory_space<semaphore_mem>>)
      %dma_wait3A_28 = arith.constant 0 : i32
      %dma_wait3A_29 = arith.constant 0 : i32
      %dma_wait3A_30 = tpu.memref_slice %arg5[%arg1, %dma_wait3A_28, %dma_wait3A_29] : memref<16x251x80xi32, #tpu.memory_space<hbm>> -> memref<1x251x80xi32, #tpu.memory_space<hbm>>
      %dma_wait3A_31 = tpu.memref_squeeze %dma_wait3A_30 : memref<1x251x80xi32, #tpu.memory_space<hbm>> -> memref<251x80xi32, #tpu.memory_space<hbm>>
      %dma_wait3A_32 = arith.constant 0 : i32
      %dma_wait3A_33 = arith.constant 0 : i32
      %dma_wait3A_34 = tpu.memref_slice %arg5[%arg1, %dma_wait3A_32, %dma_wait3A_33] : memref<16x251x80xi32, #tpu.memory_space<hbm>> -> memref<1x251x80xi32, #tpu.memory_space<hbm>>
      %dma_wait3A_35 = tpu.memref_squeeze %dma_wait3A_34 : memref<1x251x80xi32, #tpu.memory_space<hbm>> -> memref<251x80xi32, #tpu.memory_space<hbm>>
      tpu.wait_dma2 semaphore(%run_scoped3A : memref<!tpu.dma_semaphore, #tpu.memory_space<semaphore_mem>>) src(%dma_wait3A_35 : memref<251x80xi32, #tpu.memory_space<hbm>>) dst(%arg10 : memref<251x80xi32, #tpu.memory_space<vmem>>)
      tpu.yield
    }) : () -> ()
    "tpu.region"() ({
      %run_scoped3A = tpu.sem_alloc : memref<!tpu.dma_semaphore, #tpu.memory_space<semaphore_mem>>
      %dma_start3A_20 = arith.constant 0 : i32
      %dma_start3A_21 = tpu.memref_slice %arg6[%arg1, %dma_start3A_20] : memref<16x20080xf32, #tpu.memory_space<hbm>> -> memref<1x20080xf32, #tpu.memory_space<hbm>>
      %dma_start3A_22 = tpu.memref_squeeze %dma_start3A_21 : memref<1x20080xf32, #tpu.memory_space<hbm>> -> memref<20080xf32, #tpu.memory_space<hbm>>
      %dma_start3A_23 = arith.constant 0 : i32
      %dma_start3A_24 = tpu.memref_slice %arg6[%arg1, %dma_start3A_23] : memref<16x20080xf32, #tpu.memory_space<hbm>> -> memref<1x20080xf32, #tpu.memory_space<hbm>>
      %dma_start3A_25 = tpu.memref_squeeze %dma_start3A_24 : memref<1x20080xf32, #tpu.memory_space<hbm>> -> memref<20080xf32, #tpu.memory_space<hbm>>
      tpu.enqueue_dma source(%dma_start3A_25 : memref<20080xf32, #tpu.memory_space<hbm>>) target(%arg11 : memref<20080xf32, #tpu.memory_space<vmem>>) target_semaphore(%run_scoped3A : memref<!tpu.dma_semaphore, #tpu.memory_space<semaphore_mem>>)
      %dma_wait3A_26 = arith.constant 0 : i32
      %dma_wait3A_27 = tpu.memref_slice %arg6[%arg1, %dma_wait3A_26] : memref<16x20080xf32, #tpu.memory_space<hbm>> -> memref<1x20080xf32, #tpu.memory_space<hbm>>
      %dma_wait3A_28 = tpu.memref_squeeze %dma_wait3A_27 : memref<1x20080xf32, #tpu.memory_space<hbm>> -> memref<20080xf32, #tpu.memory_space<hbm>>
      %dma_wait3A_29 = arith.constant 0 : i32
      %dma_wait3A_30 = tpu.memref_slice %arg6[%arg1, %dma_wait3A_29] : memref<16x20080xf32, #tpu.memory_space<hbm>> -> memref<1x20080xf32, #tpu.memory_space<hbm>>
      %dma_wait3A_31 = tpu.memref_squeeze %dma_wait3A_30 : memref<1x20080xf32, #tpu.memory_space<hbm>> -> memref<20080xf32, #tpu.memory_space<hbm>>
      tpu.wait_dma2 semaphore(%run_scoped3A : memref<!tpu.dma_semaphore, #tpu.memory_space<semaphore_mem>>) src(%dma_wait3A_31 : memref<20080xf32, #tpu.memory_space<hbm>>) dst(%arg11 : memref<20080xf32, #tpu.memory_space<vmem>>)
      tpu.yield
    }) : () -> ()
    %dma_start3A = arith.constant 0 : i32
    %dma_start3A_0 = arith.constant 0 : i32
    %dma_start3A_1 = tpu.memref_slice %arg9[%dma_start3A, %dma_start3A_0] : memref<251x80xi32, #tpu.memory_space<vmem>> -> memref<1x80xi32, #tpu.memory_space<vmem>>
    %dma_start3A_2 = tpu.memref_squeeze %dma_start3A_1 : memref<1x80xi32, #tpu.memory_space<vmem>> -> memref<80xi32, #tpu.memory_space<vmem>>
    %dma_start3A_3 = arith.constant 0 : i32
    %dma_start3A_4 = arith.constant 0 : i32
    %dma_start3A_5 = tpu.memref_slice %arg3[%dma_start3A_3, %dma_start3A_4] : memref<10000x128xf32, #tpu.memory_space<hbm>> -> memref<10000x128xf32, #tpu.memory_space<hbm>>
    tpu.enqueue_indirect_dma source(%dma_start3A_5 : memref<10000x128xf32, #tpu.memory_space<hbm>>) target(%arg12 : memref<80x128xf32, #tpu.memory_space<vmem>>) offsets(%dma_start3A_2 : memref<80xi32, #tpu.memory_space<vmem>>) semaphore(%arg15 : memref<!tpu.dma_semaphore, #tpu.memory_space<semaphore_mem>>)
    %scan3A = arith.constant 0 : i32
    %scan3A_6 = arith.constant 0 : i32
    %scan3A_7 = arith.constant 125 : i32
    %scan3A_8 = arith.addi %scan3A_6, %scan3A_7 : i32
    %scan3A_9 = arith.constant 1 : i32
    scf.for %scan3A_20 = %scan3A_6 to %scan3A_8 step %scan3A_9  : i32 {
      %mul3A_21 = arith.constant 2 : i32
      %mul3A_22 = arith.muli %mul3A_21, %scan3A_20 : i32
      %add3A = arith.constant 0 : i32
      %add3A_23 = arith.addi %mul3A_22, %add3A : i32
      %dma_wait3A_24 = arith.constant 0 : i32
      %dma_wait3A_25 = arith.constant 0 : i32
      %dma_wait3A_26 = tpu.memref_slice %arg9[%dma_wait3A_24, %dma_wait3A_25] : memref<251x80xi32, #tpu.memory_space<vmem>> -> memref<1x80xi32, #tpu.memory_space<vmem>>
      %dma_wait3A_27 = tpu.memref_squeeze %dma_wait3A_26 : memref<1x80xi32, #tpu.memory_space<vmem>> -> memref<80xi32, #tpu.memory_space<vmem>>
      %dma_wait3A_28 = arith.constant 0 : i32
      %dma_wait3A_29 = arith.constant 0 : i32
      %dma_wait3A_30 = tpu.memref_slice %arg3[%dma_wait3A_28, %dma_wait3A_29] : memref<10000x128xf32, #tpu.memory_space<hbm>> -> memref<10000x128xf32, #tpu.memory_space<hbm>>
      tpu.wait_indirect_dma semaphore(%arg15 : memref<!tpu.dma_semaphore, #tpu.memory_space<semaphore_mem>>) src(%dma_wait3A_30 : memref<10000x128xf32, #tpu.memory_space<hbm>>) dst(%arg12 : memref<80x128xf32, #tpu.memory_space<vmem>>)
      %add3A_31 = arith.constant 1 : i32
      %add3A_32 = arith.addi %add3A_23, %add3A_31 : i32
      %dma_start3A_33 = arith.constant 0 : i32
      %dma_start3A_34 = tpu.memref_slice %arg9[%add3A_32, %dma_start3A_33] : memref<251x80xi32, #tpu.memory_space<vmem>> -> memref<1x80xi32, #tpu.memory_space<vmem>>
      %dma_start3A_35 = tpu.memref_squeeze %dma_start3A_34 : memref<1x80xi32, #tpu.memory_space<vmem>> -> memref<80xi32, #tpu.memory_space<vmem>>
      %dma_start3A_36 = arith.constant 0 : i32
      %dma_start3A_37 = arith.constant 0 : i32
      %dma_start3A_38 = tpu.memref_slice %arg3[%dma_start3A_36, %dma_start3A_37] : memref<10000x128xf32, #tpu.memory_space<hbm>> -> memref<10000x128xf32, #tpu.memory_space<hbm>>
      tpu.enqueue_indirect_dma source(%dma_start3A_38 : memref<10000x128xf32, #tpu.memory_space<hbm>>) target(%arg13 : memref<80x128xf32, #tpu.memory_space<vmem>>) offsets(%dma_start3A_35 : memref<80xi32, #tpu.memory_space<vmem>>) semaphore(%arg15 : memref<!tpu.dma_semaphore, #tpu.memory_space<semaphore_mem>>)
      %mul3A_39 = arith.constant 2 : i32
      %mul3A_40 = arith.muli %mul3A_39, %scan3A_20 : i32
      %add3A_41 = arith.constant 1 : i32
      %add3A_42 = arith.addi %mul3A_40, %add3A_41 : i32
      %dma_wait3A_43 = arith.constant 0 : i32
      %dma_wait3A_44 = arith.constant 0 : i32
      %dma_wait3A_45 = tpu.memref_slice %arg9[%dma_wait3A_43, %dma_wait3A_44] : memref<251x80xi32, #tpu.memory_space<vmem>> -> memref<1x80xi32, #tpu.memory_space<vmem>>
      %dma_wait3A_46 = tpu.memref_squeeze %dma_wait3A_45 : memref<1x80xi32, #tpu.memory_space<vmem>> -> memref<80xi32, #tpu.memory_space<vmem>>
      %dma_wait3A_47 = arith.constant 0 : i32
      %dma_wait3A_48 = arith.constant 0 : i32
      %dma_wait3A_49 = tpu.memref_slice %arg3[%dma_wait3A_47, %dma_wait3A_48] : memref<10000x128xf32, #tpu.memory_space<hbm>> -> memref<10000x128xf32, #tpu.memory_space<hbm>>
      tpu.wait_indirect_dma semaphore(%arg15 : memref<!tpu.dma_semaphore, #tpu.memory_space<semaphore_mem>>) src(%dma_wait3A_49 : memref<10000x128xf32, #tpu.memory_space<hbm>>) dst(%arg12 : memref<80x128xf32, #tpu.memory_space<vmem>>)
      %add3A_50 = arith.constant 1 : i32
      %add3A_51 = arith.addi %add3A_42, %add3A_50 : i32
      %dma_start3A_52 = arith.constant 0 : i32
      %dma_start3A_53 = tpu.memref_slice %arg9[%add3A_51, %dma_start3A_52] : memref<251x80xi32, #tpu.memory_space<vmem>> -> memref<1x80xi32, #tpu.memory_space<vmem>>
      %dma_start3A_54 = tpu.memref_squeeze %dma_start3A_53 : memref<1x80xi32, #tpu.memory_space<vmem>> -> memref<80xi32, #tpu.memory_space<vmem>>
      %dma_start3A_55 = arith.constant 0 : i32
      %dma_start3A_56 = arith.constant 0 : i32
      %dma_start3A_57 = tpu.memref_slice %arg3[%dma_start3A_55, %dma_start3A_56] : memref<10000x128xf32, #tpu.memory_space<hbm>> -> memref<10000x128xf32, #tpu.memory_space<hbm>>
      tpu.enqueue_indirect_dma source(%dma_start3A_57 : memref<10000x128xf32, #tpu.memory_space<hbm>>) target(%arg12 : memref<80x128xf32, #tpu.memory_space<vmem>>) offsets(%dma_start3A_54 : memref<80xi32, #tpu.memory_space<vmem>>) semaphore(%arg15 : memref<!tpu.dma_semaphore, #tpu.memory_space<semaphore_mem>>)
    }
    %scan3A_10 = arith.constant 125 : i32
    %dma_wait3A = arith.constant 0 : i32
    %dma_wait3A_11 = arith.constant 0 : i32
    %dma_wait3A_12 = tpu.memref_slice %arg9[%dma_wait3A, %dma_wait3A_11] : memref<251x80xi32, #tpu.memory_space<vmem>> -> memref<1x80xi32, #tpu.memory_space<vmem>>
    %dma_wait3A_13 = tpu.memref_squeeze %dma_wait3A_12 : memref<1x80xi32, #tpu.memory_space<vmem>> -> memref<80xi32, #tpu.memory_space<vmem>>
    %dma_wait3A_14 = arith.constant 0 : i32
    %dma_wait3A_15 = arith.constant 0 : i32
    %dma_wait3A_16 = tpu.memref_slice %arg3[%dma_wait3A_14, %dma_wait3A_15] : memref<10000x128xf32, #tpu.memory_space<hbm>> -> memref<10000x128xf32, #tpu.memory_space<hbm>>
    tpu.wait_indirect_dma semaphore(%arg15 : memref<!tpu.dma_semaphore, #tpu.memory_space<semaphore_mem>>) src(%dma_wait3A_16 : memref<10000x128xf32, #tpu.memory_space<hbm>>) dst(%arg12 : memref<80x128xf32, #tpu.memory_space<vmem>>)
    %barrier3A = arith.constant 0 : index
    tpu.barrier barrier_id(%barrier3A)
    %mul3A = arith.constant 640 : i32
    %mul3A_17 = arith.muli %arg1, %mul3A : i32
    %mul3A_18 = arith.constant 640 : i32
    %mul3A_19 = arith.muli %arg1, %mul3A_18 : i32
    "tpu.region"() ({
      %run_scoped3A = tpu.sem_alloc : memref<!tpu.dma_semaphore, #tpu.memory_space<semaphore_mem>>
      %dma_start3A_20 = arith.constant 0 : i32
      %dma_start3A_21 = tpu.memref_slice %arg8[%arg0, %mul3A_19, %dma_start3A_20] : memref<2x10240x64xf32, #tpu.memory_space<hbm>> -> memref<1x640x64xf32, #tpu.memory_space<hbm>>
      %dma_start3A_22 = tpu.memref_squeeze %dma_start3A_21 : memref<1x640x64xf32, #tpu.memory_space<hbm>> -> memref<640x64xf32, #tpu.memory_space<hbm>>
      %dma_start3A_23 = arith.constant 0 : i32
      %dma_start3A_24 = tpu.memref_slice %arg14[%mul3A_17, %dma_start3A_23] : memref<10240x64xf32, #tpu.memory_space<vmem_shared>> -> memref<640x64xf32, #tpu.memory_space<vmem_shared>>
      tpu.enqueue_dma source(%dma_start3A_24 : memref<640x64xf32, #tpu.memory_space<vmem_shared>>) target(%dma_start3A_22 : memref<640x64xf32, #tpu.memory_space<hbm>>) target_semaphore(%run_scoped3A : memref<!tpu.dma_semaphore, #tpu.memory_space<semaphore_mem>>)
      %dma_wait3A_25 = arith.constant 0 : i32
      %dma_wait3A_26 = tpu.memref_slice %arg8[%arg0, %mul3A_19, %dma_wait3A_25] : memref<2x10240x64xf32, #tpu.memory_space<hbm>> -> memref<1x640x64xf32, #tpu.memory_space<hbm>>
      %dma_wait3A_27 = tpu.memref_squeeze %dma_wait3A_26 : memref<1x640x64xf32, #tpu.memory_space<hbm>> -> memref<640x64xf32, #tpu.memory_space<hbm>>
      %dma_wait3A_28 = arith.constant 0 : i32
      %dma_wait3A_29 = tpu.memref_slice %arg14[%mul3A_17, %dma_wait3A_28] : memref<10240x64xf32, #tpu.memory_space<vmem_shared>> -> memref<640x64xf32, #tpu.memory_space<vmem_shared>>
      tpu.wait_dma2 semaphore(%run_scoped3A : memref<!tpu.dma_semaphore, #tpu.memory_space<semaphore_mem>>) src(%dma_wait3A_29 : memref<640x64xf32, #tpu.memory_space<vmem_shared>>) dst(%dma_wait3A_27 : memref<640x64xf32, #tpu.memory_space<hbm>>)
      tpu.yield
    }) : () -> ()
    return
  }
}

#map = affine_map<(d0, d1) -> (0, 0, 0)>
#map1 = affine_map<(d0, d1) -> (0, 0)>
module attributes {stable_mosaic.version = 14 : i64} {
  func.func @_sc_segsum(%arg0: i32, %arg1: i32, %arg2: memref<2x10000x64xf32, #tpu.memory_space<hbm>>, %arg3: memref<10000x128xf32, #tpu.memory_space<hbm>>, %arg4: memref<16x251x80xi32, #tpu.memory_space<hbm>>, %arg5: memref<16x251x80xi32, #tpu.memory_space<hbm>>, %arg6: memref<16x20080xf32, #tpu.memory_space<hbm>>, %arg7: memref<80x64xf32, #tpu.memory_space<hbm>>, %arg8: memref<2x10240x64xf32, #tpu.memory_space<hbm>>, %arg9: memref<251x80xi32, #tpu.memory_space<vmem>>, %arg10: memref<251x80xi32, #tpu.memory_space<vmem>>, %arg11: memref<20080xf32, #tpu.memory_space<vmem>>, %arg12: memref<80x128xf32, #tpu.memory_space<vmem>>, %arg13: memref<80x128xf32, #tpu.memory_space<vmem>>, %arg14: memref<10240x64xf32, #tpu.memory_space<vmem_shared>>, %arg15: memref<!tpu.dma_semaphore, #tpu.memory_space<semaphore_mem>>, %arg16: memref<!tpu.dma_semaphore, #tpu.memory_space<semaphore_mem>>) attributes {dimension_semantics = [#tpu.dimension_semantics<core_parallel>, #tpu.dimension_semantics<subcore_parallel>], iteration_bounds = array<i64: 2, 16>, scalar_prefetch = 0 : i64, scratch_operands = 8 : i64, tpu.core_type = #tpu.core_type<sc_vector_subcore>, window_params = [{transform_indices = #map}, {transform_indices = #map1}, {transform_indices = #map}, {transform_indices = #map}, {transform_indices = #map1}, {transform_indices = #map1}, {transform_indices = #map}]} {
    "tpu.region"() ({
      %run_scoped3A = tpu.sem_alloc : memref<!tpu.dma_semaphore, #tpu.memory_space<semaphore_mem>>
      %dma_start3A_20 = arith.constant 0 : i32
      %dma_start3A_21 = arith.constant 0 : i32
      %dma_start3A_22 = tpu.memref_slice %arg4[%arg1, %dma_start3A_20, %dma_start3A_21] : memref<16x251x80xi32, #tpu.memory_space<hbm>> -> memref<1x251x80xi32, #tpu.memory_space<hbm>>
      %dma_start3A_23 = tpu.memref_squeeze %dma_start3A_22 : memref<1x251x80xi32, #tpu.memory_space<hbm>> -> memref<251x80xi32, #tpu.memory_space<hbm>>
      %dma_start3A_24 = arith.constant 0 : i32
      %dma_start3A_25 = arith.constant 0 : i32
      %dma_start3A_26 = tpu.memref_slice %arg4[%arg1, %dma_start3A_24, %dma_start3A_25] : memref<16x251x80xi32, #tpu.memory_space<hbm>> -> memref<1x251x80xi32, #tpu.memory_space<hbm>>
      %dma_start3A_27 = tpu.memref_squeeze %dma_start3A_26 : memref<1x251x80xi32, #tpu.memory_space<hbm>> -> memref<251x80xi32, #tpu.memory_space<hbm>>
      tpu.enqueue_dma source(%dma_start3A_27 : memref<251x80xi32, #tpu.memory_space<hbm>>) target(%arg9 : memref<251x80xi32, #tpu.memory_space<vmem>>) target_semaphore(%run_scoped3A : memref<!tpu.dma_semaphore, #tpu.memory_space<semaphore_mem>>)
      %dma_wait3A_28 = arith.constant 0 : i32
      %dma_wait3A_29 = arith.constant 0 : i32
      %dma_wait3A_30 = tpu.memref_slice %arg4[%arg1, %dma_wait3A_28, %dma_wait3A_29] : memref<16x251x80xi32, #tpu.memory_space<hbm>> -> memref<1x251x80xi32, #tpu.memory_space<hbm>>
      %dma_wait3A_31 = tpu.memref_squeeze %dma_wait3A_30 : memref<1x251x80xi32, #tpu.memory_space<hbm>> -> memref<251x80xi32, #tpu.memory_space<hbm>>
      %dma_wait3A_32 = arith.constant 0 : i32
      %dma_wait3A_33 = arith.constant 0 : i32
      %dma_wait3A_34 = tpu.memref_slice %arg4[%arg1, %dma_wait3A_32, %dma_wait3A_33] : memref<16x251x80xi32, #tpu.memory_space<hbm>> -> memref<1x251x80xi32, #tpu.memory_space<hbm>>
      %dma_wait3A_35 = tpu.memref_squeeze %dma_wait3A_34 : memref<1x251x80xi32, #tpu.memory_space<hbm>> -> memref<251x80xi32, #tpu.memory_space<hbm>>
      tpu.wait_dma2 semaphore(%run_scoped3A : memref<!tpu.dma_semaphore, #tpu.memory_space<semaphore_mem>>) src(%dma_wait3A_35 : memref<251x80xi32, #tpu.memory_space<hbm>>) dst(%arg9 : memref<251x80xi32, #tpu.memory_space<vmem>>)
      tpu.yield
    }) : () -> ()
    "tpu.region"() ({
      %run_scoped3A = tpu.sem_alloc : memref<!tpu.dma_semaphore, #tpu.memory_space<semaphore_mem>>
      %dma_start3A_20 = arith.constant 0 : i32
      %dma_start3A_21 = arith.constant 0 : i32
      %dma_start3A_22 = tpu.memref_slice %arg5[%arg1, %dma_start3A_20, %dma_start3A_21] : memref<16x251x80xi32, #tpu.memory_space<hbm>> -> memref<1x251x80xi32, #tpu.memory_space<hbm>>
      %dma_start3A_23 = tpu.memref_squeeze %dma_start3A_22 : memref<1x251x80xi32, #tpu.memory_space<hbm>> -> memref<251x80xi32, #tpu.memory_space<hbm>>
      %dma_start3A_24 = arith.constant 0 : i32
      %dma_start3A_25 = arith.constant 0 : i32
      %dma_start3A_26 = tpu.memref_slice %arg5[%arg1, %dma_start3A_24, %dma_start3A_25] : memref<16x251x80xi32, #tpu.memory_space<hbm>> -> memref<1x251x80xi32, #tpu.memory_space<hbm>>
      %dma_start3A_27 = tpu.memref_squeeze %dma_start3A_26 : memref<1x251x80xi32, #tpu.memory_space<hbm>> -> memref<251x80xi32, #tpu.memory_space<hbm>>
      tpu.enqueue_dma source(%dma_start3A_27 : memref<251x80xi32, #tpu.memory_space<hbm>>) target(%arg10 : memref<251x80xi32, #tpu.memory_space<vmem>>) target_semaphore(%run_scoped3A : memref<!tpu.dma_semaphore, #tpu.memory_space<semaphore_mem>>)
      %dma_wait3A_28 = arith.constant 0 : i32
      %dma_wait3A_29 = arith.constant 0 : i32
      %dma_wait3A_30 = tpu.memref_slice %arg5[%arg1, %dma_wait3A_28, %dma_wait3A_29] : memref<16x251x80xi32, #tpu.memory_space<hbm>> -> memref<1x251x80xi32, #tpu.memory_space<hbm>>
      %dma_wait3A_31 = tpu.memref_squeeze %dma_wait3A_30 : memref<1x251x80xi32, #tpu.memory_space<hbm>> -> memref<251x80xi32, #tpu.memory_space<hbm>>
      %dma_wait3A_32 = arith.constant 0 : i32
      %dma_wait3A_33 = arith.constant 0 : i32
      %dma_wait3A_34 = tpu.memref_slice %arg5[%arg1, %dma_wait3A_32, %dma_wait3A_33] : memref<16x251x80xi32, #tpu.memory_space<hbm>> -> memref<1x251x80xi32, #tpu.memory_space<hbm>>
      %dma_wait3A_35 = tpu.memref_squeeze %dma_wait3A_34 : memref<1x251x80xi32, #tpu.memory_space<hbm>> -> memref<251x80xi32, #tpu.memory_space<hbm>>
      tpu.wait_dma2 semaphore(%run_scoped3A : memref<!tpu.dma_semaphore, #tpu.memory_space<semaphore_mem>>) src(%dma_wait3A_35 : memref<251x80xi32, #tpu.memory_space<hbm>>) dst(%arg10 : memref<251x80xi32, #tpu.memory_space<vmem>>)
      tpu.yield
    }) : () -> ()
    "tpu.region"() ({
      %run_scoped3A = tpu.sem_alloc : memref<!tpu.dma_semaphore, #tpu.memory_space<semaphore_mem>>
      %dma_start3A_20 = arith.constant 0 : i32
      %dma_start3A_21 = tpu.memref_slice %arg6[%arg1, %dma_start3A_20] : memref<16x20080xf32, #tpu.memory_space<hbm>> -> memref<1x20080xf32, #tpu.memory_space<hbm>>
      %dma_start3A_22 = tpu.memref_squeeze %dma_start3A_21 : memref<1x20080xf32, #tpu.memory_space<hbm>> -> memref<20080xf32, #tpu.memory_space<hbm>>
      %dma_start3A_23 = arith.constant 0 : i32
      %dma_start3A_24 = tpu.memref_slice %arg6[%arg1, %dma_start3A_23] : memref<16x20080xf32, #tpu.memory_space<hbm>> -> memref<1x20080xf32, #tpu.memory_space<hbm>>
      %dma_start3A_25 = tpu.memref_squeeze %dma_start3A_24 : memref<1x20080xf32, #tpu.memory_space<hbm>> -> memref<20080xf32, #tpu.memory_space<hbm>>
      tpu.enqueue_dma source(%dma_start3A_25 : memref<20080xf32, #tpu.memory_space<hbm>>) target(%arg11 : memref<20080xf32, #tpu.memory_space<vmem>>) target_semaphore(%run_scoped3A : memref<!tpu.dma_semaphore, #tpu.memory_space<semaphore_mem>>)
      %dma_wait3A_26 = arith.constant 0 : i32
      %dma_wait3A_27 = tpu.memref_slice %arg6[%arg1, %dma_wait3A_26] : memref<16x20080xf32, #tpu.memory_space<hbm>> -> memref<1x20080xf32, #tpu.memory_space<hbm>>
      %dma_wait3A_28 = tpu.memref_squeeze %dma_wait3A_27 : memref<1x20080xf32, #tpu.memory_space<hbm>> -> memref<20080xf32, #tpu.memory_space<hbm>>
      %dma_wait3A_29 = arith.constant 0 : i32
      %dma_wait3A_30 = tpu.memref_slice %arg6[%arg1, %dma_wait3A_29] : memref<16x20080xf32, #tpu.memory_space<hbm>> -> memref<1x20080xf32, #tpu.memory_space<hbm>>
      %dma_wait3A_31 = tpu.memref_squeeze %dma_wait3A_30 : memref<1x20080xf32, #tpu.memory_space<hbm>> -> memref<20080xf32, #tpu.memory_space<hbm>>
      tpu.wait_dma2 semaphore(%run_scoped3A : memref<!tpu.dma_semaphore, #tpu.memory_space<semaphore_mem>>) src(%dma_wait3A_31 : memref<20080xf32, #tpu.memory_space<hbm>>) dst(%arg11 : memref<20080xf32, #tpu.memory_space<vmem>>)
      tpu.yield
    }) : () -> ()
    %dma_start3A = arith.constant 0 : i32
    %dma_start3A_0 = arith.constant 0 : i32
    %dma_start3A_1 = tpu.memref_slice %arg9[%dma_start3A, %dma_start3A_0] : memref<251x80xi32, #tpu.memory_space<vmem>> -> memref<1x80xi32, #tpu.memory_space<vmem>>
    %dma_start3A_2 = tpu.memref_squeeze %dma_start3A_1 : memref<1x80xi32, #tpu.memory_space<vmem>> -> memref<80xi32, #tpu.memory_space<vmem>>
    %dma_start3A_3 = arith.constant 0 : i32
    %dma_start3A_4 = arith.constant 0 : i32
    %dma_start3A_5 = tpu.memref_slice %arg3[%dma_start3A_3, %dma_start3A_4] : memref<10000x128xf32, #tpu.memory_space<hbm>> -> memref<10000x128xf32, #tpu.memory_space<hbm>>
    tpu.enqueue_indirect_dma source(%dma_start3A_5 : memref<10000x128xf32, #tpu.memory_space<hbm>>) target(%arg12 : memref<80x128xf32, #tpu.memory_space<vmem>>) offsets(%dma_start3A_2 : memref<80xi32, #tpu.memory_space<vmem>>) semaphore(%arg15 : memref<!tpu.dma_semaphore, #tpu.memory_space<semaphore_mem>>)
    %scan3A = arith.constant 0 : i32
    %scan3A_6 = arith.constant 0 : i32
    %scan3A_7 = arith.constant 125 : i32
    %scan3A_8 = arith.addi %scan3A_6, %scan3A_7 : i32
    %scan3A_9 = arith.constant 1 : i32
    scf.for %scan3A_20 = %scan3A_6 to %scan3A_8 step %scan3A_9  : i32 {
      %mul3A_21 = arith.constant 2 : i32
      %mul3A_22 = arith.muli %mul3A_21, %scan3A_20 : i32
      %add3A = arith.constant 0 : i32
      %add3A_23 = arith.addi %mul3A_22, %add3A : i32
      %dma_wait3A_24 = arith.constant 0 : i32
      %dma_wait3A_25 = arith.constant 0 : i32
      %dma_wait3A_26 = tpu.memref_slice %arg9[%dma_wait3A_24, %dma_wait3A_25] : memref<251x80xi32, #tpu.memory_space<vmem>> -> memref<1x80xi32, #tpu.memory_space<vmem>>
      %dma_wait3A_27 = tpu.memref_squeeze %dma_wait3A_26 : memref<1x80xi32, #tpu.memory_space<vmem>> -> memref<80xi32, #tpu.memory_space<vmem>>
      %dma_wait3A_28 = arith.constant 0 : i32
      %dma_wait3A_29 = arith.constant 0 : i32
      %dma_wait3A_30 = tpu.memref_slice %arg3[%dma_wait3A_28, %dma_wait3A_29] : memref<10000x128xf32, #tpu.memory_space<hbm>> -> memref<10000x128xf32, #tpu.memory_space<hbm>>
      tpu.wait_indirect_dma semaphore(%arg15 : memref<!tpu.dma_semaphore, #tpu.memory_space<semaphore_mem>>) src(%dma_wait3A_30 : memref<10000x128xf32, #tpu.memory_space<hbm>>) dst(%arg12 : memref<80x128xf32, #tpu.memory_space<vmem>>)
      %add3A_31 = arith.constant 1 : i32
      %add3A_32 = arith.addi %add3A_23, %add3A_31 : i32
      %dma_start3A_33 = arith.constant 0 : i32
      %dma_start3A_34 = tpu.memref_slice %arg9[%add3A_32, %dma_start3A_33] : memref<251x80xi32, #tpu.memory_space<vmem>> -> memref<1x80xi32, #tpu.memory_space<vmem>>
      %dma_start3A_35 = tpu.memref_squeeze %dma_start3A_34 : memref<1x80xi32, #tpu.memory_space<vmem>> -> memref<80xi32, #tpu.memory_space<vmem>>
      %dma_start3A_36 = arith.constant 0 : i32
      %dma_start3A_37 = arith.constant 0 : i32
      %dma_start3A_38 = tpu.memref_slice %arg3[%dma_start3A_36, %dma_start3A_37] : memref<10000x128xf32, #tpu.memory_space<hbm>> -> memref<10000x128xf32, #tpu.memory_space<hbm>>
      tpu.enqueue_indirect_dma source(%dma_start3A_38 : memref<10000x128xf32, #tpu.memory_space<hbm>>) target(%arg13 : memref<80x128xf32, #tpu.memory_space<vmem>>) offsets(%dma_start3A_35 : memref<80xi32, #tpu.memory_space<vmem>>) semaphore(%arg15 : memref<!tpu.dma_semaphore, #tpu.memory_space<semaphore_mem>>)
      %mul3A_39 = arith.constant 2 : i32
      %mul3A_40 = arith.muli %mul3A_39, %scan3A_20 : i32
      %add3A_41 = arith.constant 1 : i32
      %add3A_42 = arith.addi %mul3A_40, %add3A_41 : i32
      %dma_wait3A_43 = arith.constant 0 : i32
      %dma_wait3A_44 = arith.constant 0 : i32
      %dma_wait3A_45 = tpu.memref_slice %arg9[%dma_wait3A_43, %dma_wait3A_44] : memref<251x80xi32, #tpu.memory_space<vmem>> -> memref<1x80xi32, #tpu.memory_space<vmem>>
      %dma_wait3A_46 = tpu.memref_squeeze %dma_wait3A_45 : memref<1x80xi32, #tpu.memory_space<vmem>> -> memref<80xi32, #tpu.memory_space<vmem>>
      %dma_wait3A_47 = arith.constant 0 : i32
      %dma_wait3A_48 = arith.constant 0 : i32
      %dma_wait3A_49 = tpu.memref_slice %arg3[%dma_wait3A_47, %dma_wait3A_48] : memref<10000x128xf32, #tpu.memory_space<hbm>> -> memref<10000x128xf32, #tpu.memory_space<hbm>>
      tpu.wait_indirect_dma semaphore(%arg15 : memref<!tpu.dma_semaphore, #tpu.memory_space<semaphore_mem>>) src(%dma_wait3A_49 : memref<10000x128xf32, #tpu.memory_space<hbm>>) dst(%arg12 : memref<80x128xf32, #tpu.memory_space<vmem>>)
      %add3A_50 = arith.constant 1 : i32
      %add3A_51 = arith.addi %add3A_42, %add3A_50 : i32
      %dma_start3A_52 = arith.constant 0 : i32
      %dma_start3A_53 = tpu.memref_slice %arg9[%add3A_51, %dma_start3A_52] : memref<251x80xi32, #tpu.memory_space<vmem>> -> memref<1x80xi32, #tpu.memory_space<vmem>>
      %dma_start3A_54 = tpu.memref_squeeze %dma_start3A_53 : memref<1x80xi32, #tpu.memory_space<vmem>> -> memref<80xi32, #tpu.memory_space<vmem>>
      %dma_start3A_55 = arith.constant 0 : i32
      %dma_start3A_56 = arith.constant 0 : i32
      %dma_start3A_57 = tpu.memref_slice %arg3[%dma_start3A_55, %dma_start3A_56] : memref<10000x128xf32, #tpu.memory_space<hbm>> -> memref<10000x128xf32, #tpu.memory_space<hbm>>
      tpu.enqueue_indirect_dma source(%dma_start3A_57 : memref<10000x128xf32, #tpu.memory_space<hbm>>) target(%arg12 : memref<80x128xf32, #tpu.memory_space<vmem>>) offsets(%dma_start3A_54 : memref<80xi32, #tpu.memory_space<vmem>>) semaphore(%arg15 : memref<!tpu.dma_semaphore, #tpu.memory_space<semaphore_mem>>)
    }
    %scan3A_10 = arith.constant 125 : i32
    %dma_wait3A = arith.constant 0 : i32
    %dma_wait3A_11 = arith.constant 0 : i32
    %dma_wait3A_12 = tpu.memref_slice %arg9[%dma_wait3A, %dma_wait3A_11] : memref<251x80xi32, #tpu.memory_space<vmem>> -> memref<1x80xi32, #tpu.memory_space<vmem>>
    %dma_wait3A_13 = tpu.memref_squeeze %dma_wait3A_12 : memref<1x80xi32, #tpu.memory_space<vmem>> -> memref<80xi32, #tpu.memory_space<vmem>>
    %dma_wait3A_14 = arith.constant 0 : i32
    %dma_wait3A_15 = arith.constant 0 : i32
    %dma_wait3A_16 = tpu.memref_slice %arg3[%dma_wait3A_14, %dma_wait3A_15] : memref<10000x128xf32, #tpu.memory_space<hbm>> -> memref<10000x128xf32, #tpu.memory_space<hbm>>
    tpu.wait_indirect_dma semaphore(%arg15 : memref<!tpu.dma_semaphore, #tpu.memory_space<semaphore_mem>>) src(%dma_wait3A_16 : memref<10000x128xf32, #tpu.memory_space<hbm>>) dst(%arg12 : memref<80x128xf32, #tpu.memory_space<vmem>>)
    %barrier3A = arith.constant 0 : index
    tpu.barrier barrier_id(%barrier3A)
    %mul3A = arith.constant 640 : i32
    %mul3A_17 = arith.muli %arg1, %mul3A : i32
    %mul3A_18 = arith.constant 640 : i32
    %mul3A_19 = arith.muli %arg1, %mul3A_18 : i32
    "tpu.region"() ({
      %run_scoped3A = tpu.sem_alloc : memref<!tpu.dma_semaphore, #tpu.memory_space<semaphore_mem>>
      %dma_start3A_20 = arith.constant 0 : i32
      %dma_start3A_21 = tpu.memref_slice %arg8[%arg0, %mul3A_19, %dma_start3A_20] : memref<2x10240x64xf32, #tpu.memory_space<hbm>> -> memref<1x640x64xf32, #tpu.memory_space<hbm>>
      %dma_start3A_22 = tpu.memref_squeeze %dma_start3A_21 : memref<1x640x64xf32, #tpu.memory_space<hbm>> -> memref<640x64xf32, #tpu.memory_space<hbm>>
      %dma_start3A_23 = arith.constant 0 : i32
      %dma_start3A_24 = tpu.memref_slice %arg14[%mul3A_17, %dma_start3A_23] : memref<10240x64xf32, #tpu.memory_space<vmem_shared>> -> memref<640x64xf32, #tpu.memory_space<vmem_shared>>
      tpu.enqueue_dma source(%dma_start3A_24 : memref<640x64xf32, #tpu.memory_space<vmem_shared>>) target(%dma_start3A_22 : memref<640x64xf32, #tpu.memory_space<hbm>>) target_semaphore(%run_scoped3A : memref<!tpu.dma_semaphore, #tpu.memory_space<semaphore_mem>>)
      %dma_wait3A_25 = arith.constant 0 : i32
      %dma_wait3A_26 = tpu.memref_slice %arg8[%arg0, %mul3A_19, %dma_wait3A_25] : memref<2x10240x64xf32, #tpu.memory_space<hbm>> -> memref<1x640x64xf32, #tpu.memory_space<hbm>>
      %dma_wait3A_27 = tpu.memref_squeeze %dma_wait3A_26 : memref<1x640x64xf32, #tpu.memory_space<hbm>> -> memref<640x64xf32, #tpu.memory_space<hbm>>
      %dma_wait3A_28 = arith.constant 0 : i32
      %dma_wait3A_29 = tpu.memref_slice %arg14[%mul3A_17, %dma_wait3A_28] : memref<10240x64xf32, #tpu.memory_space<vmem_shared>> -> memref<640x64xf32, #tpu.memory_space<vmem_shared>>
      tpu.wait_dma2 semaphore(%run_scoped3A : memref<!tpu.dma_semaphore, #tpu.memory_space<semaphore_mem>>) src(%dma_wait3A_29 : memref<640x64xf32, #tpu.memory_space<vmem_shared>>) dst(%dma_wait3A_27 : memref<640x64xf32, #tpu.memory_space<hbm>>)
      tpu.yield
    }) : () -> ()
    return
  }
}

module attributes {stable_mosaic.version = 14 : i64} {
  func.func @_bi_mid_body(%arg0: i32, %arg1: memref<400x128xf32, #tpu.memory_space<vmem>>, %arg2: memref<1x400x64xf32, #tpu.memory_space<vmem>>, %arg3: memref<1x400x64xf32, #tpu.memory_space<vmem>>, %arg4: memref<128x128xf32, #tpu.memory_space<vmem>>, %arg5: memref<1x128xf32, #tpu.memory_space<vmem>>, %arg6: memref<128x128xf32, #tpu.memory_space<vmem>>, %arg7: memref<1x128xf32, #tpu.memory_space<vmem>>, %arg8: memref<2x400x64xf32, #tpu.memory_space<vmem>>) attributes {dimension_semantics = [#tpu.dimension_semantics<arbitrary>], iteration_bounds = array<i64: 25>, scalar_prefetch = 0 : i64, scratch_operands = 0 : i64, tpu.core_type = #tpu.core_type<tc>, window_params = [{transform_indices = @transform_0, window_bounds = array<i64: 400, 128>}, {transform_indices = @transform_1, window_bounds = array<i64: 1, 400, 64>}, {transform_indices = @transform_2, window_bounds = array<i64: 1, 400, 64>}, {pipeline_mode = #tpu.pipeline_mode<synchronous>, transform_indices = @transform_3, window_bounds = array<i64: 128, 128>}, {pipeline_mode = #tpu.pipeline_mode<synchronous>, transform_indices = @transform_4, window_bounds = array<i64: 1, 128>}, {pipeline_mode = #tpu.pipeline_mode<synchronous>, transform_indices = @transform_5, window_bounds = array<i64: 128, 128>}, {pipeline_mode = #tpu.pipeline_mode<synchronous>, transform_indices = @transform_6, window_bounds = array<i64: 1, 128>}, {transform_indices = @transform_7, window_bounds = array<i64: 2, 400, 64>}]} {
    %get3A = arith.constant 0 : index
    %get3A_0 = arith.constant 0 : index
    %get3A_1 = vector.load %arg1[%get3A, %get3A_0] : memref<400x128xf32, #tpu.memory_space<vmem>>, vector<400x128xf32>
    %get3A_2 = arith.constant 0 : index
    %get3A_3 = arith.constant 0 : index
    %get3A_4 = arith.constant 0 : index
    %get3A_5 = vector.load %arg2[%get3A_2, %get3A_3, %get3A_4] : memref<1x400x64xf32, #tpu.memory_space<vmem>>, vector<1x400x64xf32>
    %get3A_6 = vector.shape_cast %get3A_5 : vector<1x400x64xf32> to vector<400x64xf32>
    %get3A_7 = arith.constant 0 : index
    %get3A_8 = arith.constant 0 : index
    %get3A_9 = arith.constant 0 : index
    %get3A_10 = vector.load %arg3[%get3A_7, %get3A_8, %get3A_9] : memref<1x400x64xf32, #tpu.memory_space<vmem>>, vector<1x400x64xf32>
    %get3A_11 = vector.shape_cast %get3A_10 : vector<1x400x64xf32> to vector<400x64xf32>
    %concatenate3A = tpu.concatenate %get3A_6, %get3A_11 in 1 : vector<400x64xf32>, vector<400x64xf32> -> vector<400x128xf32>
    %add3A = arith.addf %get3A_1, %concatenate3A : vector<400x128xf32>
    %get3A_12 = arith.constant 0 : index
    %get3A_13 = arith.constant 0 : index
    %get3A_14 = vector.load %arg4[%get3A_12, %get3A_13] : memref<128x128xf32, #tpu.memory_space<vmem>>, vector<128x128xf32>
    %dot_general3A = arith.constant dense<0.000000e+00> : vector<400x128xf32>
    %dot_general3A_15 = tpu.matmul %add3A, %get3A_14, %dot_general3A {dimension_numbers = #tpu.dot_dimension_numbers<[1], [1], [0], [0], [0, 0, 1, 0], [], []>, transpose_lhs_hint = false} : vector<400x128xf32>, vector<128x128xf32>, vector<400x128xf32> -> vector<400x128xf32>
    %get3A_16 = arith.constant 0 : index
    %get3A_17 = arith.constant 0 : index
    %get3A_18 = vector.load %arg5[%get3A_16, %get3A_17] : memref<1x128xf32, #tpu.memory_space<vmem>>, vector<1x128xf32>
    %add3A_19 = vector.broadcast %get3A_18 : vector<1x128xf32> to vector<400x128xf32>
    %add3A_20 = arith.addf %dot_general3A_15, %add3A_19 : vector<400x128xf32>
    %mul3A = arith.mulf %get3A_1, %concatenate3A : vector<400x128xf32>
    %get3A_21 = arith.constant 0 : index
    %get3A_22 = arith.constant 0 : index
    %get3A_23 = vector.load %arg6[%get3A_21, %get3A_22] : memref<128x128xf32, #tpu.memory_space<vmem>>, vector<128x128xf32>
    %dot_general3A_24 = arith.constant dense<0.000000e+00> : vector<400x128xf32>
    %dot_general3A_25 = tpu.matmul %mul3A, %get3A_23, %dot_general3A_24 {dimension_numbers = #tpu.dot_dimension_numbers<[1], [1], [0], [0], [0, 0, 1, 0], [], []>, transpose_lhs_hint = false} : vector<400x128xf32>, vector<128x128xf32>, vector<400x128xf32> -> vector<400x128xf32>
    %get3A_26 = arith.constant 0 : index
    %get3A_27 = arith.constant 0 : index
    %get3A_28 = vector.load %arg7[%get3A_26, %get3A_27] : memref<1x128xf32, #tpu.memory_space<vmem>>, vector<1x128xf32>
    %add3A_29 = vector.broadcast %get3A_28 : vector<1x128xf32> to vector<400x128xf32>
    %add3A_30 = arith.addf %dot_general3A_25, %add3A_29 : vector<400x128xf32>
    %gt3A = arith.constant 0.000000e+00 : f32
    %gt3A_31 = vector.broadcast %gt3A : f32 to vector<400x128xf32>
    %gt3A_32 = arith.cmpf ogt, %add3A_20, %gt3A_31 : vector<400x128xf32>
    %mul3A_33 = arith.constant 0.00999999977 : f32
    %mul3A_34 = vector.broadcast %mul3A_33 : f32 to vector<400x128xf32>
    %mul3A_35 = arith.mulf %mul3A_34, %add3A_20 : vector<400x128xf32>
    %select_n3A = arith.select %gt3A_32, %add3A_20, %mul3A_35 : vector<400x128xi1>, vector<400x128xf32>
    %gt3A_36 = arith.constant 0.000000e+00 : f32
    %gt3A_37 = vector.broadcast %gt3A_36 : f32 to vector<400x128xf32>
    %gt3A_38 = arith.cmpf ogt, %add3A_30, %gt3A_37 : vector<400x128xf32>
    %mul3A_39 = arith.constant 0.00999999977 : f32
    %mul3A_40 = vector.broadcast %mul3A_39 : f32 to vector<400x128xf32>
    %mul3A_41 = arith.mulf %mul3A_40, %add3A_30 : vector<400x128xf32>
    %select_n3A_42 = arith.select %gt3A_38, %add3A_30, %mul3A_41 : vector<400x128xi1>, vector<400x128xf32>
    %add3A_43 = arith.addf %select_n3A, %select_n3A_42 : vector<400x128xf32>
    %slice3A = vector.extract_strided_slice %add3A_43 {offsets = [0, 0], sizes = [400, 64], strides = [1, 1]} : vector<400x128xf32> to vector<400x64xf32>
    %swap3A = arith.constant 0 : index
    %swap3A_44 = arith.constant 0 : index
    %swap3A_45 = arith.constant 0 : index
    %swap3A_46 = vector.load %arg8[%swap3A, %swap3A_44, %swap3A_45] : memref<2x400x64xf32, #tpu.memory_space<vmem>>, vector<1x400x64xf32>
    %swap3A_47 = vector.shape_cast %swap3A_46 : vector<1x400x64xf32> to vector<400x64xf32>
    %swap3A_48 = vector.shape_cast %slice3A : vector<400x64xf32> to vector<1x400x64xf32>
    tpu.vector_store %arg8[%swap3A, %swap3A_44, %swap3A_45], %swap3A_48 {strides = array<i32>} : memref<2x400x64xf32, #tpu.memory_space<vmem>>, vector<1x400x64xf32>,
    %slice3A_49 = vector.extract_strided_slice %add3A_43 {offsets = [0, 64], sizes = [400, 64], strides = [1, 1]} : vector<400x128xf32> to vector<400x64xf32>
    %swap3A_50 = arith.constant 1 : index
    %swap3A_51 = arith.constant 0 : index
    %swap3A_52 = arith.constant 0 : index
    %swap3A_53 = vector.load %arg8[%swap3A_50, %swap3A_51, %swap3A_52] : memref<2x400x64xf32, #tpu.memory_space<vmem>>, vector<1x400x64xf32>
    %swap3A_54 = vector.shape_cast %swap3A_53 : vector<1x400x64xf32> to vector<400x64xf32>
    %swap3A_55 = vector.shape_cast %slice3A_49 : vector<400x64xf32> to vector<1x400x64xf32>
    tpu.vector_store %arg8[%swap3A_50, %swap3A_51, %swap3A_52], %swap3A_55 {strides = array<i32>} : memref<2x400x64xf32, #tpu.memory_space<vmem>>, vector<1x400x64xf32>,
    return
  }
  func.func @transform_0(%arg0: i32) -> (i32, i32) {
    %c0_i32 = arith.constant 0 : i32
    %c0_i32_0 = arith.constant 0 : i32
    return %arg0, %c0_i32 : i32, i32
  }
  func.func @transform_1(%arg0: i32) -> (i32, i32, i32) {
    %c0_i32 = arith.constant 0 : i32
    %c0_i32_0 = arith.constant 0 : i32
    %c0_i32_1 = arith.constant 0 : i32
    return %c0_i32, %arg0, %c0_i32_0 : i32, i32, i32
  }
  func.func @transform_2(%arg0: i32) -> (i32, i32, i32) {
    %c1_i32 = arith.constant 1 : i32
    %c0_i32 = arith.constant 0 : i32
    %c0_i32_0 = arith.constant 0 : i32
    return %c1_i32, %arg0, %c0_i32 : i32, i32, i32
  }
  func.func @transform_3(%arg0: i32) -> (i32, i32) {
    %c0_i32 = arith.constant 0 : i32
    %c0_i32_0 = arith.constant 0 : i32
    %c0_i32_1 = arith.constant 0 : i32
    return %c0_i32, %c0_i32_0 : i32, i32
  }
  func.func @transform_4(%arg0: i32) -> (i32, i32) {
    %c0_i32 = arith.constant 0 : i32
    %c0_i32_0 = arith.constant 0 : i32
    %c0_i32_1 = arith.constant 0 : i32
    return %c0_i32, %c0_i32_0 : i32, i32
  }
  func.func @transform_5(%arg0: i32) -> (i32, i32) {
    %c0_i32 = arith.constant 0 : i32
    %c0_i32_0 = arith.constant 0 : i32
    %c0_i32_1 = arith.constant 0 : i32
    return %c0_i32, %c0_i32_0 : i32, i32
  }
  func.func @transform_6(%arg0: i32) -> (i32, i32) {
    %c0_i32 = arith.constant 0 : i32
    %c0_i32_0 = arith.constant 0 : i32
    %c0_i32_1 = arith.constant 0 : i32
    return %c0_i32, %c0_i32_0 : i32, i32
  }
  func.func @transform_7(%arg0: i32) -> (i32, i32, i32) {
    %c0_i32 = arith.constant 0 : i32
    %c0_i32_0 = arith.constant 0 : i32
    %c0_i32_1 = arith.constant 0 : i32
    return %c0_i32, %arg0, %c0_i32_0 : i32, i32, i32
  }
}

module attributes {stable_mosaic.version = 14 : i64} {
  func.func @_bi_last_body(%arg0: i32, %arg1: memref<400x128xf32, #tpu.memory_space<vmem>>, %arg2: memref<1x400x64xf32, #tpu.memory_space<vmem>>, %arg3: memref<1x400x64xf32, #tpu.memory_space<vmem>>, %arg4: memref<1x400x64xf32, #tpu.memory_space<vmem>>, %arg5: memref<1x400x64xf32, #tpu.memory_space<vmem>>, %arg6: memref<128x128xf32, #tpu.memory_space<vmem>>, %arg7: memref<1x128xf32, #tpu.memory_space<vmem>>, %arg8: memref<128x128xf32, #tpu.memory_space<vmem>>, %arg9: memref<1x128xf32, #tpu.memory_space<vmem>>, %arg10: memref<400x384xf32, #tpu.memory_space<vmem>>) attributes {dimension_semantics = [#tpu.dimension_semantics<arbitrary>], iteration_bounds = array<i64: 25>, scalar_prefetch = 0 : i64, scratch_operands = 0 : i64, tpu.core_type = #tpu.core_type<tc>, window_params = [{transform_indices = @transform_0, window_bounds = array<i64: 400, 128>}, {transform_indices = @transform_1, window_bounds = array<i64: 1, 400, 64>}, {transform_indices = @transform_2, window_bounds = array<i64: 1, 400, 64>}, {transform_indices = @transform_3, window_bounds = array<i64: 1, 400, 64>}, {transform_indices = @transform_4, window_bounds = array<i64: 1, 400, 64>}, {pipeline_mode = #tpu.pipeline_mode<synchronous>, transform_indices = @transform_5, window_bounds = array<i64: 128, 128>}, {pipeline_mode = #tpu.pipeline_mode<synchronous>, transform_indices = @transform_6, window_bounds = array<i64: 1, 128>}, {pipeline_mode = #tpu.pipeline_mode<synchronous>, transform_indices = @transform_7, window_bounds = array<i64: 128, 128>}, {pipeline_mode = #tpu.pipeline_mode<synchronous>, transform_indices = @transform_8, window_bounds = array<i64: 1, 128>}, {transform_indices = @transform_9, window_bounds = array<i64: 400, 384>}]} {
    %get3A = arith.constant 0 : index
    %get3A_0 = arith.constant 0 : index
    %get3A_1 = arith.constant 0 : index
    %get3A_2 = vector.load %arg2[%get3A, %get3A_0, %get3A_1] : memref<1x400x64xf32, #tpu.memory_space<vmem>>, vector<1x400x64xf32>
    %get3A_3 = vector.shape_cast %get3A_2 : vector<1x400x64xf32> to vector<400x64xf32>
    %get3A_4 = arith.constant 0 : index
    %get3A_5 = arith.constant 0 : index
    %get3A_6 = arith.constant 0 : index
    %get3A_7 = vector.load %arg3[%get3A_4, %get3A_5, %get3A_6] : memref<1x400x64xf32, #tpu.memory_space<vmem>>, vector<1x400x64xf32>
    %get3A_8 = vector.shape_cast %get3A_7 : vector<1x400x64xf32> to vector<400x64xf32>
    %concatenate3A = tpu.concatenate %get3A_3, %get3A_8 in 1 : vector<400x64xf32>, vector<400x64xf32> -> vector<400x128xf32>
    %get3A_9 = arith.constant 0 : index
    %get3A_10 = arith.constant 0 : index
    %get3A_11 = arith.constant 0 : index
    %get3A_12 = vector.load %arg4[%get3A_9, %get3A_10, %get3A_11] : memref<1x400x64xf32, #tpu.memory_space<vmem>>, vector<1x400x64xf32>
    %get3A_13 = vector.shape_cast %get3A_12 : vector<1x400x64xf32> to vector<400x64xf32>
    %get3A_14 = arith.constant 0 : index
    %get3A_15 = arith.constant 0 : index
    %get3A_16 = arith.constant 0 : index
    %get3A_17 = vector.load %arg5[%get3A_14, %get3A_15, %get3A_16] : memref<1x400x64xf32, #tpu.memory_space<vmem>>, vector<1x400x64xf32>
    %get3A_18 = vector.shape_cast %get3A_17 : vector<1x400x64xf32> to vector<400x64xf32>
    %concatenate3A_19 = tpu.concatenate %get3A_13, %get3A_18 in 1 : vector<400x64xf32>, vector<400x64xf32> -> vector<400x128xf32>
    %add3A = arith.addf %concatenate3A, %concatenate3A_19 : vector<400x128xf32>
    %get3A_20 = arith.constant 0 : index
    %get3A_21 = arith.constant 0 : index
    %get3A_22 = vector.load %arg6[%get3A_20, %get3A_21] : memref<128x128xf32, #tpu.memory_space<vmem>>, vector<128x128xf32>
    %dot_general3A = arith.constant dense<0.000000e+00> : vector<400x128xf32>
    %dot_general3A_23 = tpu.matmul %add3A, %get3A_22, %dot_general3A {dimension_numbers = #tpu.dot_dimension_numbers<[1], [1], [0], [0], [0, 0, 1, 0], [], []>, transpose_lhs_hint = false} : vector<400x128xf32>, vector<128x128xf32>, vector<400x128xf32> -> vector<400x128xf32>
    %get3A_24 = arith.constant 0 : index
    %get3A_25 = arith.constant 0 : index
    %get3A_26 = vector.load %arg7[%get3A_24, %get3A_25] : memref<1x128xf32, #tpu.memory_space<vmem>>, vector<1x128xf32>
    %add3A_27 = vector.broadcast %get3A_26 : vector<1x128xf32> to vector<400x128xf32>
    %add3A_28 = arith.addf %dot_general3A_23, %add3A_27 : vector<400x128xf32>
    %mul3A = arith.mulf %concatenate3A, %concatenate3A_19 : vector<400x128xf32>
    %get3A_29 = arith.constant 0 : index
    %get3A_30 = arith.constant 0 : index
    %get3A_31 = vector.load %arg8[%get3A_29, %get3A_30] : memref<128x128xf32, #tpu.memory_space<vmem>>, vector<128x128xf32>
    %dot_general3A_32 = arith.constant dense<0.000000e+00> : vector<400x128xf32>
    %dot_general3A_33 = tpu.matmul %mul3A, %get3A_31, %dot_general3A_32 {dimension_numbers = #tpu.dot_dimension_numbers<[1], [1], [0], [0], [0, 0, 1, 0], [], []>, transpose_lhs_hint = false} : vector<400x128xf32>, vector<128x128xf32>, vector<400x128xf32> -> vector<400x128xf32>
    %get3A_34 = arith.constant 0 : index
    %get3A_35 = arith.constant 0 : index
    %get3A_36 = vector.load %arg9[%get3A_34, %get3A_35] : memref<1x128xf32, #tpu.memory_space<vmem>>, vector<1x128xf32>
    %add3A_37 = vector.broadcast %get3A_36 : vector<1x128xf32> to vector<400x128xf32>
    %add3A_38 = arith.addf %dot_general3A_33, %add3A_37 : vector<400x128xf32>
    %gt3A = arith.constant 0.000000e+00 : f32
    %gt3A_39 = vector.broadcast %gt3A : f32 to vector<400x128xf32>
    %gt3A_40 = arith.cmpf ogt, %add3A_28, %gt3A_39 : vector<400x128xf32>
    %mul3A_41 = arith.constant 0.00999999977 : f32
    %mul3A_42 = vector.broadcast %mul3A_41 : f32 to vector<400x128xf32>
    %mul3A_43 = arith.mulf %mul3A_42, %add3A_28 : vector<400x128xf32>
    %select_n3A = arith.select %gt3A_40, %add3A_28, %mul3A_43 : vector<400x128xi1>, vector<400x128xf32>
    %gt3A_44 = arith.constant 0.000000e+00 : f32
    %gt3A_45 = vector.broadcast %gt3A_44 : f32 to vector<400x128xf32>
    %gt3A_46 = arith.cmpf ogt, %add3A_38, %gt3A_45 : vector<400x128xf32>
    %mul3A_47 = arith.constant 0.00999999977 : f32
    %mul3A_48 = vector.broadcast %mul3A_47 : f32 to vector<400x128xf32>
    %mul3A_49 = arith.mulf %mul3A_48, %add3A_38 : vector<400x128xf32>
    %select_n3A_50 = arith.select %gt3A_46, %add3A_38, %mul3A_49 : vector<400x128xi1>, vector<400x128xf32>
    %add3A_51 = arith.addf %select_n3A, %select_n3A_50 : vector<400x128xf32>
    %get3A_52 = arith.constant 0 : index
    %get3A_53 = arith.constant 0 : index
    %get3A_54 = vector.load %arg1[%get3A_52, %get3A_53] : memref<400x128xf32, #tpu.memory_space<vmem>>, vector<400x128xf32>
    %swap3A = arith.constant 0 : index
    %swap3A_55 = arith.constant 0 : index
    %swap3A_56 = vector.load %arg10[%swap3A, %swap3A_55] : memref<400x384xf32, #tpu.memory_space<vmem>>, vector<400x128xf32>
    tpu.vector_store %arg10[%swap3A, %swap3A_55], %get3A_54 {strides = array<i32>} : memref<400x384xf32, #tpu.memory_space<vmem>>, vector<400x128xf32>,
    %swap3A_57 = arith.constant 0 : index
    %swap3A_58 = arith.constant 128 : index
    %swap3A_59 = vector.load %arg10[%swap3A_57, %swap3A_58] : memref<400x384xf32, #tpu.memory_space<vmem>>, vector<400x128xf32>
    tpu.vector_store %arg10[%swap3A_57, %swap3A_58], %concatenate3A {strides = array<i32>} : memref<400x384xf32, #tpu.memory_space<vmem>>, vector<400x128xf32>,
    %swap3A_60 = arith.constant 0 : index
    %swap3A_61 = arith.constant 256 : index
    %swap3A_62 = vector.load %arg10[%swap3A_60, %swap3A_61] : memref<400x384xf32, #tpu.memory_space<vmem>>, vector<400x128xf32>
    tpu.vector_store %arg10[%swap3A_60, %swap3A_61], %add3A_51 {strides = array<i32>} : memref<400x384xf32, #tpu.memory_space<vmem>>, vector<400x128xf32>,
    return
  }
  func.func @transform_0(%arg0: i32) -> (i32, i32) {
    %c0_i32 = arith.constant 0 : i32
    %c0_i32_0 = arith.constant 0 : i32
    return %arg0, %c0_i32 : i32, i32
  }
  func.func @transform_1(%arg0: i32) -> (i32, i32, i32) {
    %c0_i32 = arith.constant 0 : i32
    %c0_i32_0 = arith.constant 0 : i32
    %c0_i32_1 = arith.constant 0 : i32
    return %c0_i32, %arg0, %c0_i32_0 : i32, i32, i32
  }
  func.func @transform_2(%arg0: i32) -> (i32, i32, i32) {
    %c1_i32 = arith.constant 1 : i32
    %c0_i32 = arith.constant 0 : i32
    %c0_i32_0 = arith.constant 0 : i32
    return %c1_i32, %arg0, %c0_i32 : i32, i32, i32
  }
  func.func @transform_3(%arg0: i32) -> (i32, i32, i32) {
    %c0_i32 = arith.constant 0 : i32
    %c0_i32_0 = arith.constant 0 : i32
    %c0_i32_1 = arith.constant 0 : i32
    return %c0_i32, %arg0, %c0_i32_0 : i32, i32, i32
  }
  func.func @transform_4(%arg0: i32) -> (i32, i32, i32) {
    %c1_i32 = arith.constant 1 : i32
    %c0_i32 = arith.constant 0 : i32
    %c0_i32_0 = arith.constant 0 : i32
    return %c1_i32, %arg0, %c0_i32 : i32, i32, i32
  }
  func.func @transform_5(%arg0: i32) -> (i32, i32) {
    %c0_i32 = arith.constant 0 : i32
    %c0_i32_0 = arith.constant 0 : i32
    %c0_i32_1 = arith.constant 0 : i32
    return %c0_i32, %c0_i32_0 : i32, i32
  }
  func.func @transform_6(%arg0: i32) -> (i32, i32) {
    %c0_i32 = arith.constant 0 : i32
    %c0_i32_0 = arith.constant 0 : i32
    %c0_i32_1 = arith.constant 0 : i32
    return %c0_i32, %c0_i32_0 : i32, i32
  }
  func.func @transform_7(%arg0: i32) -> (i32, i32) {
    %c0_i32 = arith.constant 0 : i32
    %c0_i32_0 = arith.constant 0 : i32
    %c0_i32_1 = arith.constant 0 : i32
    return %c0_i32, %c0_i32_0 : i32, i32
  }
  func.func @transform_8(%arg0: i32) -> (i32, i32) {
    %c0_i32 = arith.constant 0 : i32
    %c0_i32_0 = arith.constant 0 : i32
    %c0_i32_1 = arith.constant 0 : i32
    return %c0_i32, %c0_i32_0 : i32, i32
  }
  func.func @transform_9(%arg0: i32) -> (i32, i32) {
    %c0_i32 = arith.constant 0 : i32
    %c0_i32_0 = arith.constant 0 : i32
    return %arg0, %c0_i32 : i32, i32
  }
}

</mosaic_0001>

<sc_bundles>
// kernel: kernel.6.cloned.1.call-start
scs
__scs_entry_jumppad:
0x0: {  	(pc) =	sbr.rel $0x88, $3  }
0x1: {  	(tag) =	ssettag $0x0;
	lr =	simm.s32 $0x1  }
0x2: {  	[smem:$0x3F96] =	sst lr;
	_ =	strace $0xD0000000  }
0x3: {  	_ = 	snop  }
0x4: {  	_ = 	snop  }
0x5: {  	_ = 	snop  }
0x6: {  	_ = 	snop  }
0x7: {  	_ = 	snop  }
__scs_overlays_trampoline_lowered:
0x8: {  	[smem:$0x3FA5] =	sst s0  }
0x9: {  	[smem:$0x3FA6] =	sst s1  }
0xa: {  	[smem:$0x3FA7] =	sst s2  }
0xb: {  	[smem:$0x3FA8] =	sst s3  }
0xc: {  	[smem:$0x3FA9] =	sst s4  }
0xd: {  	[smem:$0x3FAA] =	sst s5  }
0xe: {  	[smem:$0x3FAB] =	sst s6  }
0xf: {  	[smem:$0x3FAC] =	sst s7  }
0x10: {  	[smem:$0x3FAD] =	sst s8  }
0x11: {  	[smem:$0x3FAE] =	sst s9;
	s0 =	simm.s32 @!p0 $0x0  }
0x12: {  	s1 =	sld [smem:$0x3F94];
	s0 =	simm.s32 @p0 $0x1  }
0x13: {  	[smem:$0x3FAF] =	sst s0;
	s0 =	simm.s32 @!p1 $0x0  }
0x14: {  	s2 =	sld [smem:$0x3F93];
	s0 =	simm.s32 @p1 $0x1  }
0x15: {  	[smem:$0x3FB0] =	sst s0;
	s0 =	simm.s32 @!p2 $0x0  }
0x16: {  	s3 =	sld [smem:$0x3FDB];
	s0 =	simm.s32 @p2 $0x1  }
0x17: {  	s4 =	simm.s32 $0x1BF5;
	[smem:$0x3FB2] =	sst s0  }
0x18: {  	s0 =	sld [smem:$0x3F95];
	_ =	swait.ge [sflag:s4], $0x0  }
0x19: {  	s7 =	sld [smem:$0x3F96]  }
0x1a: {  	s8 =	sadd.s32 $0xFFFFE003, lr  }
0x1b: {  	s9 =	sadd.s32 $0xFFFFFEF7, lr;
	s5 =	simm.s32 $0xFFFFFFFF;
	p2 =	slt.u32 s8, $0xFFFFF086  }
0x1c: {  	p1 =	slt.u32 s9, $0xF7A;
	s5 =	simm.s32 @!p2 $0x0  }
0x1d: {  	s5 =	simm.s32 @p1 $0x1;
	p0 =	seq.s32 s7, s2  }
0x1e: {  	s7 =	smul.u32 @!p0 $0xF7A, s2;
	p2 =	seq.s32 @!p0 s5, $0x0  }
0x1f: {  	s9 =	smul.u32 $0xF7A, s1;
	s8 =	simm.s32 @!p0 $0x1BF5;
	p2 =	por !p2, p0  }
0x20: {  	[sflag:s8] =	ssyncset.s32 @!p0 $0xFFFFF086;
	s6 =	sadd.s32 @!p0 s3, s7;
	s7 =	simm.s32 @!p0 $0x108  }
0x21: {  	s3 =	sadd.s32 s3, s9;
	s6 =	sadd.s32 @!p0 $0x88, s6;
	s7 =	simm.s32 @p2 $0x1082  }
0x22: {  	[simem:s7], [sflag:s8] =	dma.local @!p0 [hbm:s6], $0xF7A  }
0x23: {  	s9 =	sor.u32 $0xD0000000, s2;
	s6 =	simm.s32 $0x108;
	_ =	swait.ge @!p0 [sflag:s8], $0x0  }
0x24: {  	s3 =	sadd.s32 $0x88, s3;
	s6 =	simm.s32 @!p1 $0x1082;
	[sflag:s4] =	ssyncset.s32 $0xFFFFF086  }
0x25: {  	[simem:s6], [sflag:s4] =	dma.local [hbm:s3], $0xF7A  }
0x26: {  	[smem:$0x3F96] =	sst s1;
	(tag) =	ssettag s2;
	_ =	strace s9  }
0x27: {  	s1 =	sld [smem:$0x3FA6]  }
0x28: {  	s2 =	sld [smem:$0x3FA7]  }
0x29: {  	s4 =	sld [smem:$0x3FA9]  }
0x2a: {  	p0 =	seq.s32 s5, $0x0;
	s5 =	sld [smem:$0x3FAA]  }
0x2b: {  	s6 =	sld [smem:$0x3FAB]  }
0x2c: {  	s7 =	sld [smem:$0x3FAC]  }
0x2d: {  	s3 =	simm.s32 $0x108;
	s8 =	sld [smem:$0x3FAD]  }
0x2e: {  	s3 =	simm.s32 @!p0 $0x1082;
	s9 =	sld [smem:$0x3FAE]  }
0x2f: {  	lr =	sadd.s32 s0, s3;
	s0 =	sld [smem:$0x3FA5]  }
0x30: {  	s3 =	sld [smem:$0x3FA8]  }
0x31: {  	[smem:$0x3FB1] =	sst s10  }
0x32: {  	s10 =	sld [smem:$0x3FAF];
	_ =	sdelay $0x3  }
0x33: {  	p0 =	seq.s32 s10, $0x1;
	s10 =	sld [smem:$0x3FB1];
	_ =	sdelay $0x3  }
0x34: {  	[smem:$0x3FB1] =	sst s10  }
0x35: {  	s10 =	sld [smem:$0x3FB0];
	_ =	sdelay $0x3  }
0x36: {  	p1 =	seq.s32 s10, $0x1;
	s10 =	sld [smem:$0x3FB1];
	_ =	sdelay $0x3  }
0x37: {  	[smem:$0x3FB1] =	sst s10  }
0x38: {  	s10 =	sld [smem:$0x3FB2]  }
0x39: {  	_ = 	snop;
	(pc) =	sbr.ind lr, $3  }
0x3a: {  	_ = 	snop  }
0x3b: {  	_ = 	snop  }
0x3c: {  	p2 =	seq.s32 s10, $0x1;
	s10 =	sld [smem:$0x3FB1]  }
0x3d: {  	_ =	shalt  }
0x3e: {  	_ =	shalt  }
0x3f: {  	_ =	shalt  }
0x40: {  	_ =	shalt  }
0x41: {  	_ =	shalt  }
0x42: {  	_ =	shalt  }
0x43: {  	_ =	shalt  }
0x44: {  	_ =	shalt  }
0x45: {  	_ =	shalt  }
0x46: {  	_ =	shalt  }
0x47: {  	_ =	shalt  }
0x48: {  	_ =	shalt  }
0x49: {  	_ =	shalt  }
0x4a: {  	_ =	shalt  }
0x4b: {  	_ =	shalt  }
0x4c: {  	_ =	shalt  }
0x4d: {  	_ =	shalt  }
0x4e: {  	_ =	shalt  }
0x4f: {  	_ =	shalt  }
0x50: {  	_ =	shalt  }
0x51: {  	_ =	shalt  }
0x52: {  	_ =	shalt  }
0x53: {  	_ =	shalt  }
0x54: {  	_ =	shalt  }
0x55: {  	_ =	shalt  }
0x56: {  	_ =	shalt  }
0x57: {  	_ =	shalt  }
0x58: {  	_ =	shalt  }
0x59: {  	_ =	shalt  }
0x5a: {  	_ =	shalt  }
0x5b: {  	_ =	shalt  }
0x5c: {  	_ =	shalt  }
0x5d: {  	_ =	shalt  }
0x5e: {  	_ =	shalt  }
0x5f: {  	_ =	shalt  }
0x60: {  	_ =	shalt  }
0x61: {  	_ =	shalt  }
0x62: {  	_ =	shalt  }
0x63: {  	_ =	shalt  }
0x64: {  	_ =	shalt  }
0x65: {  	_ =	shalt  }
0x66: {  	_ =	shalt  }
0x67: {  	_ =	shalt  }
0x68: {  	_ =	shalt  }
0x69: {  	_ =	shalt  }
0x6a: {  	_ =	shalt  }
0x6b: {  	_ =	shalt  }
0x6c: {  	_ =	shalt  }
0x6d: {  	_ =	shalt  }
0x6e: {  	_ =	shalt  }
0x6f: {  	_ =	shalt  }
0x70: {  	_ =	shalt  }
0x71: {  	_ =	shalt  }
0x72: {  	_ =	shalt  }
0x73: {  	_ =	shalt  }
0x74: {  	_ =	shalt  }
0x75: {  	_ =	shalt  }
0x76: {  	_ =	shalt  }
0x77: {  	_ =	shalt  }
0x78: {  	_ =	shalt  }
0x79: {  	_ =	shalt  }
0x7a: {  	_ =	shalt  }
0x7b: {  	_ =	shalt  }
0x7c: {  	_ =	shalt  }
0x7d: {  	_ =	shalt  }
0x7e: {  	_ =	shalt  }
0x7f: {  	_ =	shalt  }
0x80: {  	_ =	shalt  }
0x81: {  	_ =	shalt  }
0x82: {  	_ =	shalt  }
0x83: {  	_ =	shalt  }
0x84: {  	_ =	shalt  }
0x85: {  	_ =	shalt  }
0x86: {  	_ =	shalt  }
0x87: {  	_ =	shalt  }
.Lfunc_end0:
.L_simem_size_0:
called_computation_lowered:
.L_overlay_start_0:
0x88: {  	s2 =	sld [smem:$0x3FD9]  }
0x89: {  	s3 =	sld [smem:$0x3FFE];
	_ =	sdelay $0x1  }
0x8a: {  	s1 =	srdreg.scid  }
0x8b: {  	s0 =	sand.u32 $0x1, s1  }
0x8c: {  	s17 =	sshll.u32 s0, $0xA;
	s2 =	sadd.s32 s3, s2  }
0x8d: {  	s2 =	sadd.s32 s2, s17  }
0x8e: {  	[smem:$0x3FBD] =	sst s2  }
0x8f: {  	_ = 	snop  }
0x90: {  	s2 =	sld [smem:$0x3FC9];
	(tm) =	ssettm $0x1  }
0x91: {  	s18 =	sld [smem:$0x3FFB];
	_ =	sdelay $0x3  }
0x92: {  	_ =	strace s18  }
0x93: {  	s3 =	sld [smem:$0x3FFC];
	_ =	sdelay $0x3  }
0x94: {  	_ =	strace s3  }
0x95: {  	s3 =	sld [smem:$0x3FFD];
	_ =	sdelay $0x3  }
0x96: {  	_ =	strace s3  }
0x97: {  	_ =	strace $0x8FFFFFFF  }
0x98: {  	s19 =	sld [smem:$0x3FDB];
	_ =	sdelay $0x1  }
0x99: {  	s4 =	simm.s32 $_scs_section_size  }
0x9a: {  	s5 =	simm.s32 $_size__tile_overlayer_lowered;
	s6 =	simm.s32 $_tile_overlayer_lowered  }
0x9b: {  	s22 =	simm.s32 $0x1BFF;
	s21 =	sshll.u32 s6, $0x1;
	s3 =	sadd.s32 s4, s19  }
0x9c: {  	s7 =	simm.s32 $0x0;
	s20 =	sshll.u32 s5, $0x1;
	s5 =	sadd.s32 s21, s3  }
0x9d: {  	[timem:s7], [sflag:s22] =	dma.local [hbm:s5], s20  }
0x9e: {  	_ =	swait.ge [sflag:s22], s20  }
0x9f: {  	s4 =	ssub.s32 $0x0, s20;
	[sflag:s22] =	ssyncset.done $0x0  }
0xa0: {  	[sflag:s22] =	ssyncadd.s32 s4;
	_ =	sdelay $0x1  }
0xa1: {  	s23 =	simm.s32 $0x1B8B  }
0xa2: {  	_ =	swait.ge [sflag:s23], $0x1  }
0xa3: {  	[sflag:s23] =	ssyncset.done $0x0  }
0xa4: {  	s25 =	simm.s32 $0x1B8E;
	s24 =	sld [smem:$0x3FFE];
	[sflag:s23] =	ssyncadd.s32 $0xFFFFFFFF  }
0xa5: {  	s26 =	simm.s32 $execute0_lowered;
	[smem:$0x3FD2] =	sst s25  }
0xa6: {  	s5 =	sshll.u32 s26, $0x1;
	_ =	strace $0x80000046;
	[dreg:$0x1] =	wrdreg $0xFFFFFFFF  }
0xa7: {  	s28 =	simm.s32 $_size_execute0_lowered;
	s3 =	sadd.s32 s3, s5;
	[dreg:$0x0] =	wrdreg $0x0  }
0xa8: {  	s5 =	sshll.u32 s28, $0x1;
	[dreg:$0x2] =	wrdreg s3  }
0xa9: {  	[dreg:$0x3] =	wrdreg s5  }
0xaa: {  	[dreg:$0x4] =	wrdreg $0xC0  }
0xab: {  	_ =	task [dreg:s7], $0x5FFFF  }
0xac: {  	[dreg:$0x1] =	wrdreg $0xFFFFFFFF  }
0xad: {  	[dreg:$0x0] =	wrdreg $0x60  }
0xae: {  	[dreg:$0x2] =	wrdreg s2  }
0xaf: {  	[dreg:$0x3] =	wrdreg s24  }
0xb0: {  	[dreg:$0x4] =	wrdreg $0x13B500  }
0xb1: {  	[dreg:$0x5] =	wrdreg $0x9  }
0xb2: {  	_ =	task.clear_ibuf [dreg:s7], $0x6FFFF;
	_ =	strace $0x90000046  }
0xb3: {  	s29 =	simm.s32 $0x9;
	_ =	strace $0x80000048  }
0xb4: {  	_ =	swait.ge [sflag:s29], $0x1  }
0xb5: {  	[sflag:s29] =	ssyncadd.s32 $0xFFFFFFFF  }
0xb6: {  	_ =	strace $0x90000048  }
0xb7: {  	_ =	sfence  }
0xb8: {  	s30 =	sld [smem:$0x0];
	_ =	sdelay $0x2  }
0xb9: {  	s31 =	sshll.u32 s1, $0xD;
	s1 =	sshrl.u32 s1, $0x2  }
0xba: {  	s3 =	sand.u32 $0x4000, s31;
	s1 =	sadd.s32 s1, s30  }
0xbb: {  	s0 =	sor.u32 s3, s0;
	s1 =	sshll.u32 s1, $0x11  }
0xbc: {  	s0 =	sor.u32 s1, s0  }
0xbd: {  	s0 =	sadd.s32 $0x8F2B, s0  }
0xbe: {  	[sflag:s0] =	ssyncadd.remote.s32 $0x1  }
0xbf: {  	_ =	sfence.sel $0xFFFF  }
0xc0: {  	[dreg:$0x0] =	wrdreg $0xFFFFFFFF;
	(pc) =	sbr.abs _section_cstart, $3  }
0xc1: {  	[dreg:$0x1] =	wrdreg $0xFFFFFFFF  }
0xc2: {  	_ =	task.clear_ibuf [dreg:s7], $0x2FFFF;
	_ =	strace $0x9FFFFFFF  }
0xc3: {  	(tm) =	ssettm $0x7FFFFFFF  }
tec
execute0_lowered:
.L_overlay_start_1:
0x0: {  	(tag) =	ssettag $0x1  }
0x1: {  	s1 =	rddreg [dreg:$0x0]  }
0x2: {  	s4 =	rddreg [dreg:$0x1]  }
0x3: {  	s0 =	srdreg.scid;
	s8 =	rddreg [dreg:$0x2]  }
0x4: {  	s2 =	rddreg [dreg:$0x3];
	s3 =	simm.s32 $0x0;
	s12 =	simm.s32 $0x50  }
0x5: {  	s13 =	simm.s32 $0xEB50;
	s14 =	simm.s32 $0x1;
	s5 =	sand.u32 $0x1, s0  }
0x6: {  	s15 =	simm.s32 $0x11350;
	s0 =	stileid.u32;
	s6 =	smul.u32 $0xA0000, s5  }
0x7: {  	s18 =	simm.s32 $0x0;
	[smem:$0x7FF] =	sst s3;
	s9 =	smul.u32 $0xA000, s0  }
0x8: {  	s7 =	smul.u32 $0x9CE, s0;
	s5 =	ssub.s32 $0x2, s5;
	s16 =	sshll.u32 s0, $0x6  }
0x9: {  	_ =	strace $0x80000047;
	s31 =	sshrl.u32 s5, $0x1;
	s16 =	sor.u32 $0x1C02, s16  }
0xa: {  	s6 =	sadd.s32 s9, s6;
	s7 =	sadd.s32 s7, s4;
	s11 =	ssub.s32 s5, s31  }
0xb: {  	s17 =	sadd.s32 s9, s8;
	s9 =	simm.s32 $0x2;
	s6 =	sshrl.u32 s6, $0x3  }
0xc: {  	s5 =	sadd.s32 $0xC800, s7;
	s8 =	smax.u32 s11, $0x1;
	s11 =	simm.s32 $0x9CE0  }
0xd: {  	s17 =	sshrl.u32 s17, $0x3;
	s10 =	sadd.s32 s6, s4;
	s4 =	sadd.s32 $0x16600, s7  }
0xe: {  	s6 =	sadd.s32 $0x2A00, s7;
	s7 =	sadd.s32 $0x20800, s10;
	s10 =	simm.s32 $0x4E70  }
.LBB2_1:
0xf: {  	[tilespmem:s3], [sflag:$0x2] =	stream.linear.gather [hbm4b:s4+s3], $0x4E70, $0x38;
	[tilespmem:$0x1DB50] =	vst v63  }
0x10: {  	_ =	swait.ge [sflag:s9], $0x4E70  }
0x11: {  	[sflag:s9] =	ssyncset.done $0x0  }
0x12: {  	[sflag:s9] =	ssyncadd.s32 $0xFFFFB190  }
0x13: {  	[tilespmem:s10], [sflag:$0x2] =	stream.linear.gather [hbm4b:s5+s3], $0x4E70, $0x38;
	[tilespmem:$0x1DB50] =	vst v63  }
0x14: {  	_ =	swait.ge [sflag:s9], $0x4E70  }
0x15: {  	[sflag:s9] =	ssyncset.done $0x0  }
0x16: {  	[sflag:s9] =	ssyncadd.s32 $0xFFFFB190  }
0x17: {  	[tilespmem:s11], [sflag:$0x2] =	stream.linear.gather [hbm4b:s6+s3], $0x4E70, $0x38;
	[tilespmem:$0x1DB50] =	vst v63  }
0x18: {  	_ =	swait.ge [sflag:s9], $0x4E70  }
0x19: {  	[sflag:s9] =	ssyncset.done $0x0  }
0x1a: {  	[sflag:s9] =	ssyncadd.s32 $0xFFFFB190  }
0x1b: {  	[tilespmem:s13], [sflag:$0x1] =	stream.indirect.gather [hbm4b:s1+s12], $0x80, s3, s12, $0xb8;
	[tilespmem:$0x1DB50] =	vst v63  }
0x1c: {  	_ =	swait.ge [sflag:s14], $0x2800  }
0x1d: {  	[sflag:s14] =	ssyncset.done $0x0  }
0x1e: {  	s19 =	simm.s32 $0x50;
	[sflag:s14] =	ssyncadd.s32 $0xFFFFD800  }
0x1f: {  	[tilespmem:s15], [sflag:$0x1] =	stream.indirect.gather [hbm4b:s1+s12], $0x80, s19, s12, $0xb8;
	[tilespmem:$0x1DB50] =	vst v63  }
0x20: {  	_ =	swait.ge [sflag:s14], $0x2800  }
0x21: {  	[sflag:s14] =	ssyncset.done $0x0  }
0x22: {  	s20 =	simm.s32 $0xA0;
	s19 =	simm.s32 $0xFFFECA00;
	[sflag:s14] =	ssyncadd.s32 $0xFFFFD800  }
.LBB2_2:
0x23: {  	[tilespmem:s13], [sflag:$0x1] =	stream.indirect.gather [hbm4b:s1+s12], $0x80, s20, s12, $0xb8;
	[tilespmem:$0x1DB50] =	vst v63  }
0x24: {  	s20 =	smov.u32 s19  }
0x25: {  	p0 =	sne.s32 s19, $0xFFFFFD80;
	s19 =	sadd.s32 $0x280, s19;
	_ =	swait.ge [sflag:s14], $0x2800  }
0x26: {  	s20 =	sshra.s32 s20, $0x2;
	[sflag:s14] =	ssyncset.done $0x0  }
.Ltmp0:
0x27: {  	s21 =	sadd.s32 $0x4E70, s20;
	[sflag:s14] =	ssyncadd.s32 $0xFFFFD800;
	(pc) =	sbr.rel @p0 .LBB2_2-.Ltmp0, $4  }
0x28: {  	[tilespmem:s15], [sflag:$0x1] =	stream.indirect.gather [hbm4b:s1+s12], $0x80, s21, s12, $0xb8;
	[tilespmem:$0x1DB50] =	vst v63  }
0x29: {  	_ =	swait.ge [sflag:s14], $0x2800  }
0x2a: {  	[sflag:s14] =	ssyncset.done $0x0  }
0x2b: {  	s20 =	sadd.s32 $0x4EC0, s20;
	[sflag:s14] =	ssyncadd.s32 $0xFFFFD800  }
0x2c: {  	[tilespmem:s13], [sflag:$0x1] =	stream.indirect.gather [hbm4b:s1+s12], $0x80, s20, s12, $0xb8;
	[tilespmem:$0x1DB50] =	vst v63  }
0x2d: {  	_ =	swait.ge [sflag:s14], $0x2800  }
0x2e: {  	s18 =	sadd.s32 $0x1, s18;
	[sflag:s14] =	ssyncset.done $0x0  }
0x2f: {  	p0 =	sne.s32 s18, s8;
	[sflag:s14] =	ssyncadd.s32 $0xFFFFD800  }
.Ltmp1:
0x30: {  	[bflag:$0x0] =	sbarrier.arrive $0xFFFF;
	(pc) =	sbr.rel @p0 .LBB2_1-.Ltmp1, $4  }
0x31: {  	[hbm:s7], [sflag:s16] =	dma.local [spmem:s17], $0x1400  }
0x32: {  	_ =	swait.ge [sflag:s9], $0x1400  }
0x33: {  	[sflag:s9] =	ssyncset.done $0x0  }
0x34: {  	[sflag:s9] =	ssyncadd.s32 $0xFFFFEC00  }
0x35: {  	_ =	sfence.sel $0x180000  }
0x36: {  	[bflag:$0x0] =	sbarrier.arrive $0xFFFF  }
0x37: {  	p0 =	sne.s32 s0, $0x0;
	_ =	strace $0x90000047  }
0x38: {  	s0 =	sadd.s32 @!p0 $0x100000, s2;
	[bflag:$0x2] =	sbarrier.arrive $0xFFFF  }
0x39: {  	[sflag:s0] =	ssyncadd.tile.s32 @!p0 $0x1;
	_ =	shalt  }
.Lfunc_end2:
_tile_overlayer_lowered:
.L_overlay_start_2:
0x3a: {  	(tag) =	ssettag $0x2  }
0x3b: {  	s0 =	rddreg [dreg:$0x0];
	s2 =	stileid.u32  }
0x3c: {  	s1 =	rddreg [dreg:$0x1];
	p0 =	sne.s32 s2, $0x0  }
0x3d: {  	s3 =	rddreg [dreg:$0x2];
	[bflag:$0x3] =	sbarrier.arrive $0xFFFF;
	s2 =	simm.s32 @!p0 $0x1C02  }
0x3e: {  	[timem:s3], [sflag:s2] =	dma.local @!p0 [hbm:s0], s1  }
0x3f: {  	s0 =	simm.s32 @!p0 $0x2  }
0x40: {  	_ =	swait.ge @!p0 [sflag:s0], s1  }
0x41: {  	s1 =	ssub.s32 @!p0 $0x0, s1;
	[sflag:s0] =	ssyncset.done @!p0 $0x0  }
0x42: {  	[sflag:s0] =	ssyncadd.s32 @!p0 s1  }
0x43: {  	[bflag:$0x3] =	sbarrier.arrive $0xFFFF  }
0x44: {  	_ =	shalt  }

// kernel: kernel.9.cloned.1.call-start
scs
__scs_entry_jumppad:
0x0: {  	(pc) =	sbr.rel $0x88, $3  }
0x1: {  	(tag) =	ssettag $0x0;
	lr =	simm.s32 $0x1  }
0x2: {  	[smem:$0x3F96] =	sst lr;
	_ =	strace $0xD0000000  }
0x3: {  	_ = 	snop  }
0x4: {  	_ = 	snop  }
0x5: {  	_ = 	snop  }
0x6: {  	_ = 	snop  }
0x7: {  	_ = 	snop  }
__scs_overlays_trampoline_lowered:
0x8: {  	[smem:$0x3FA5] =	sst s0  }
0x9: {  	[smem:$0x3FA6] =	sst s1  }
0xa: {  	[smem:$0x3FA7] =	sst s2  }
0xb: {  	[smem:$0x3FA8] =	sst s3  }
0xc: {  	[smem:$0x3FA9] =	sst s4  }
0xd: {  	[smem:$0x3FAA] =	sst s5  }
0xe: {  	[smem:$0x3FAB] =	sst s6  }
0xf: {  	[smem:$0x3FAC] =	sst s7  }
0x10: {  	[smem:$0x3FAD] =	sst s8  }
0x11: {  	[smem:$0x3FAE] =	sst s9;
	s0 =	simm.s32 @!p0 $0x0  }
0x12: {  	s1 =	sld [smem:$0x3F94];
	s0 =	simm.s32 @p0 $0x1  }
0x13: {  	[smem:$0x3FAF] =	sst s0;
	s0 =	simm.s32 @!p1 $0x0  }
0x14: {  	s2 =	sld [smem:$0x3F93];
	s0 =	simm.s32 @p1 $0x1  }
0x15: {  	[smem:$0x3FB0] =	sst s0;
	s0 =	simm.s32 @!p2 $0x0  }
0x16: {  	s3 =	sld [smem:$0x3FDB];
	s0 =	simm.s32 @p2 $0x1  }
0x17: {  	s4 =	simm.s32 $0x1BF5;
	[smem:$0x3FB2] =	sst s0  }
0x18: {  	s0 =	sld [smem:$0x3F95];
	_ =	swait.ge [sflag:s4], $0x0  }
0x19: {  	s7 =	sld [smem:$0x3F96]  }
0x1a: {  	s8 =	sadd.s32 $0xFFFFE003, lr  }
0x1b: {  	s9 =	sadd.s32 $0xFFFFFEF7, lr;
	s5 =	simm.s32 $0xFFFFFFFF;
	p2 =	slt.u32 s8, $0xFFFFF086  }
0x1c: {  	p1 =	slt.u32 s9, $0xF7A;
	s5 =	simm.s32 @!p2 $0x0  }
0x1d: {  	s5 =	simm.s32 @p1 $0x1;
	p0 =	seq.s32 s7, s2  }
0x1e: {  	s7 =	smul.u32 @!p0 $0xF7A, s2;
	p2 =	seq.s32 @!p0 s5, $0x0  }
0x1f: {  	s9 =	smul.u32 $0xF7A, s1;
	s8 =	simm.s32 @!p0 $0x1BF5;
	p2 =	por !p2, p0  }
0x20: {  	[sflag:s8] =	ssyncset.s32 @!p0 $0xFFFFF086;
	s6 =	sadd.s32 @!p0 s3, s7;
	s7 =	simm.s32 @!p0 $0x108  }
0x21: {  	s3 =	sadd.s32 s3, s9;
	s6 =	sadd.s32 @!p0 $0x88, s6;
	s7 =	simm.s32 @p2 $0x1082  }
0x22: {  	[simem:s7], [sflag:s8] =	dma.local @!p0 [hbm:s6], $0xF7A  }
0x23: {  	s9 =	sor.u32 $0xD0000000, s2;
	s6 =	simm.s32 $0x108;
	_ =	swait.ge @!p0 [sflag:s8], $0x0  }
0x24: {  	s3 =	sadd.s32 $0x88, s3;
	s6 =	simm.s32 @!p1 $0x1082;
	[sflag:s4] =	ssyncset.s32 $0xFFFFF086  }
0x25: {  	[simem:s6], [sflag:s4] =	dma.local [hbm:s3], $0xF7A  }
0x26: {  	[smem:$0x3F96] =	sst s1;
	(tag) =	ssettag s2;
	_ =	strace s9  }
0x27: {  	s1 =	sld [smem:$0x3FA6]  }
0x28: {  	s2 =	sld [smem:$0x3FA7]  }
0x29: {  	s4 =	sld [smem:$0x3FA9]  }
0x2a: {  	p0 =	seq.s32 s5, $0x0;
	s5 =	sld [smem:$0x3FAA]  }
0x2b: {  	s6 =	sld [smem:$0x3FAB]  }
0x2c: {  	s7 =	sld [smem:$0x3FAC]  }
0x2d: {  	s3 =	simm.s32 $0x108;
	s8 =	sld [smem:$0x3FAD]  }
0x2e: {  	s3 =	simm.s32 @!p0 $0x1082;
	s9 =	sld [smem:$0x3FAE]  }
0x2f: {  	lr =	sadd.s32 s0, s3;
	s0 =	sld [smem:$0x3FA5]  }
0x30: {  	s3 =	sld [smem:$0x3FA8]  }
0x31: {  	[smem:$0x3FB1] =	sst s10  }
0x32: {  	s10 =	sld [smem:$0x3FAF];
	_ =	sdelay $0x3  }
0x33: {  	p0 =	seq.s32 s10, $0x1;
	s10 =	sld [smem:$0x3FB1];
	_ =	sdelay $0x3  }
0x34: {  	[smem:$0x3FB1] =	sst s10  }
0x35: {  	s10 =	sld [smem:$0x3FB0];
	_ =	sdelay $0x3  }
0x36: {  	p1 =	seq.s32 s10, $0x1;
	s10 =	sld [smem:$0x3FB1];
	_ =	sdelay $0x3  }
0x37: {  	[smem:$0x3FB1] =	sst s10  }
0x38: {  	s10 =	sld [smem:$0x3FB2]  }
0x39: {  	_ = 	snop;
	(pc) =	sbr.ind lr, $3  }
0x3a: {  	_ = 	snop  }
0x3b: {  	_ = 	snop  }
0x3c: {  	p2 =	seq.s32 s10, $0x1;
	s10 =	sld [smem:$0x3FB1]  }
0x3d: {  	_ =	shalt  }
0x3e: {  	_ =	shalt  }
0x3f: {  	_ =	shalt  }
0x40: {  	_ =	shalt  }
0x41: {  	_ =	shalt  }
0x42: {  	_ =	shalt  }
0x43: {  	_ =	shalt  }
0x44: {  	_ =	shalt  }
0x45: {  	_ =	shalt  }
0x46: {  	_ =	shalt  }
0x47: {  	_ =	shalt  }
0x48: {  	_ =	shalt  }
0x49: {  	_ =	shalt  }
0x4a: {  	_ =	shalt  }
0x4b: {  	_ =	shalt  }
0x4c: {  	_ =	shalt  }
0x4d: {  	_ =	shalt  }
0x4e: {  	_ =	shalt  }
0x4f: {  	_ =	shalt  }
0x50: {  	_ =	shalt  }
0x51: {  	_ =	shalt  }
0x52: {  	_ =	shalt  }
0x53: {  	_ =	shalt  }
0x54: {  	_ =	shalt  }
0x55: {  	_ =	shalt  }
0x56: {  	_ =	shalt  }
0x57: {  	_ =	shalt  }
0x58: {  	_ =	shalt  }
0x59: {  	_ =	shalt  }
0x5a: {  	_ =	shalt  }
0x5b: {  	_ =	shalt  }
0x5c: {  	_ =	shalt  }
0x5d: {  	_ =	shalt  }
0x5e: {  	_ =	shalt  }
0x5f: {  	_ =	shalt  }
0x60: {  	_ =	shalt  }
0x61: {  	_ =	shalt  }
0x62: {  	_ =	shalt  }
0x63: {  	_ =	shalt  }
0x64: {  	_ =	shalt  }
0x65: {  	_ =	shalt  }
0x66: {  	_ =	shalt  }
0x67: {  	_ =	shalt  }
0x68: {  	_ =	shalt  }
0x69: {  	_ =	shalt  }
0x6a: {  	_ =	shalt  }
0x6b: {  	_ =	shalt  }
0x6c: {  	_ =	shalt  }
0x6d: {  	_ =	shalt  }
0x6e: {  	_ =	shalt  }
0x6f: {  	_ =	shalt  }
0x70: {  	_ =	shalt  }
0x71: {  	_ =	shalt  }
0x72: {  	_ =	shalt  }
0x73: {  	_ =	shalt  }
0x74: {  	_ =	shalt  }
0x75: {  	_ =	shalt  }
0x76: {  	_ =	shalt  }
0x77: {  	_ =	shalt  }
0x78: {  	_ =	shalt  }
0x79: {  	_ =	shalt  }
0x7a: {  	_ =	shalt  }
0x7b: {  	_ =	shalt  }
0x7c: {  	_ =	shalt  }
0x7d: {  	_ =	shalt  }
0x7e: {  	_ =	shalt  }
0x7f: {  	_ =	shalt  }
0x80: {  	_ =	shalt  }
0x81: {  	_ =	shalt  }
0x82: {  	_ =	shalt  }
0x83: {  	_ =	shalt  }
0x84: {  	_ =	shalt  }
0x85: {  	_ =	shalt  }
0x86: {  	_ =	shalt  }
0x87: {  	_ =	shalt  }
.Lfunc_end0:
.L_simem_size_0:
called_computation.1_lowered:
.L_overlay_start_0:
0x88: {  	s2 =	sld [smem:$0x3FD9]  }
0x89: {  	s3 =	sld [smem:$0x3FFE];
	_ =	sdelay $0x1  }
0x8a: {  	s1 =	srdreg.scid  }
0x8b: {  	s0 =	sand.u32 $0x1, s1  }
0x8c: {  	s17 =	sshll.u32 s0, $0xA;
	s2 =	sadd.s32 s3, s2  }
0x8d: {  	s2 =	sadd.s32 s2, s17  }
0x8e: {  	[smem:$0x3FBD] =	sst s2  }
0x8f: {  	_ = 	snop  }
0x90: {  	s2 =	sld [smem:$0x3FC9]  }
0x91: {  	s18 =	sld [smem:$0x3FD0];
	(tm) =	ssettm $0x1  }
0x92: {  	s4 =	sld [smem:$0x3FFB];
	_ =	sdelay $0x3  }
0x93: {  	_ =	strace s4  }
0x94: {  	s4 =	sld [smem:$0x3FFC];
	_ =	sdelay $0x3  }
0x95: {  	_ =	strace s4  }
0x96: {  	s4 =	sld [smem:$0x3FFD];
	_ =	sdelay $0x3  }
0x97: {  	_ =	strace s4  }
0x98: {  	_ =	strace $0x8FFFFFFF  }
0x99: {  	s19 =	sld [smem:$0x3FDB];
	_ =	sdelay $0x1  }
0x9a: {  	s5 =	simm.s32 $_scs_section_size  }
0x9b: {  	s6 =	simm.s32 $_size__tile_overlayer_lowered;
	s7 =	simm.s32 $_tile_overlayer_lowered  }
0x9c: {  	s22 =	simm.s32 $0x1BFF;
	s21 =	sshll.u32 s7, $0x1;
	s4 =	sadd.s32 s5, s19  }
0x9d: {  	s8 =	simm.s32 $0x0;
	s20 =	sshll.u32 s6, $0x1;
	s6 =	sadd.s32 s21, s4  }
0x9e: {  	[timem:s8], [sflag:s22] =	dma.local [hbm:s6], s20  }
0x9f: {  	_ =	swait.ge [sflag:s22], s20  }
0xa0: {  	s5 =	ssub.s32 $0x0, s20;
	[sflag:s22] =	ssyncset.done $0x0  }
0xa1: {  	[sflag:s22] =	ssyncadd.s32 s5;
	_ =	sdelay $0x1  }
0xa2: {  	s23 =	simm.s32 $0x1B8B  }
0xa3: {  	_ =	swait.ge [sflag:s23], $0x1  }
0xa4: {  	[sflag:s23] =	ssyncset.done $0x0  }
0xa5: {  	s25 =	simm.s32 $0x1B8E;
	s24 =	sld [smem:$0x3FFE];
	[sflag:s23] =	ssyncadd.s32 $0xFFFFFFFF  }
0xa6: {  	s26 =	simm.s32 $execute0_lowered;
	[smem:$0x3FD2] =	sst s25  }
0xa7: {  	s6 =	sshll.u32 s26, $0x1;
	_ =	strace $0x80000049;
	[dreg:$0x1] =	wrdreg $0xFFFFFFFF  }
0xa8: {  	s28 =	simm.s32 $_size_execute0_lowered;
	s4 =	sadd.s32 s4, s6;
	[dreg:$0x0] =	wrdreg $0x0  }
0xa9: {  	s6 =	sshll.u32 s28, $0x1;
	[dreg:$0x2] =	wrdreg s4  }
0xaa: {  	[dreg:$0x3] =	wrdreg s6  }
0xab: {  	[dreg:$0x4] =	wrdreg $0xC0  }
0xac: {  	_ =	task [dreg:s8], $0x5FFFF  }
0xad: {  	[dreg:$0x1] =	wrdreg $0xFFFFFFFF  }
0xae: {  	[dreg:$0x0] =	wrdreg $0x60  }
0xaf: {  	[dreg:$0x2] =	wrdreg s2  }
0xb0: {  	[dreg:$0x3] =	wrdreg s24  }
0xb1: {  	[dreg:$0x4] =	wrdreg s18  }
0xb2: {  	[dreg:$0x5] =	wrdreg $0x13B500  }
0xb3: {  	[dreg:$0x6] =	wrdreg $0x9  }
0xb4: {  	_ =	task.clear_ibuf [dreg:s8], $0x7FFFF;
	_ =	strace $0x90000049  }
0xb5: {  	s29 =	simm.s32 $0x9;
	_ =	strace $0x8000004B  }
0xb6: {  	_ =	swait.ge [sflag:s29], $0x1  }
0xb7: {  	[sflag:s29] =	ssyncadd.s32 $0xFFFFFFFF  }
0xb8: {  	_ =	strace $0x9000004B  }
0xb9: {  	_ =	sfence  }
0xba: {  	s30 =	sld [smem:$0x0];
	_ =	sdelay $0x2  }
0xbb: {  	s31 =	sshll.u32 s1, $0xD;
	s1 =	sshrl.u32 s1, $0x2  }
0xbc: {  	s3 =	sand.u32 $0x4000, s31;
	s1 =	sadd.s32 s1, s30  }
0xbd: {  	s0 =	sor.u32 s3, s0;
	s1 =	sshll.u32 s1, $0x11  }
0xbe: {  	s0 =	sor.u32 s1, s0  }
0xbf: {  	s0 =	sadd.s32 $0x8F2B, s0  }
0xc0: {  	[sflag:s0] =	ssyncadd.remote.s32 $0x1  }
0xc1: {  	_ =	sfence.sel $0xFFFF  }
0xc2: {  	[dreg:$0x0] =	wrdreg $0xFFFFFFFF;
	(pc) =	sbr.abs _section_cstart, $3  }
0xc3: {  	[dreg:$0x1] =	wrdreg $0xFFFFFFFF  }
0xc4: {  	_ =	task.clear_ibuf [dreg:s8], $0x2FFFF;
	_ =	strace $0x9FFFFFFF  }
0xc5: {  	(tm) =	ssettm $0x7FFFFFFF  }
tec
execute0_lowered:
.L_overlay_start_1:
0x0: {  	(tag) =	ssettag $0x1  }
0x1: {  	s1 =	rddreg [dreg:$0x0]  }
0x2: {  	s4 =	rddreg [dreg:$0x1]  }
0x3: {  	s7 =	rddreg [dreg:$0x2];
	s0 =	stileid.u32  }
0x4: {  	s2 =	srdreg.scid;
	s8 =	rddreg [dreg:$0x3];
	s3 =	simm.s32 $0x0  }
0x5: {  	s13 =	simm.s32 $0xEB50;
	s14 =	simm.s32 $0x1;
	s15 =	simm.s32 $0x11350  }
0x6: {  	s5 =	smul.u32 $0x9CE, s0;
	s6 =	sand.u32 $0x1, s2;
	s2 =	rddreg [dreg:$0x4]  }
0x7: {  	s18 =	simm.s32 $0x0;
	[smem:$0x7FF] =	sst s3;
	s10 =	smul.u32 $0xA000, s0  }
0x8: {  	s16 =	sshll.u32 s0, $0x6;
	s9 =	smul.u32 $0xA0000, s6;
	s6 =	ssub.s32 $0x2, s6  }
0x9: {  	_ =	strace $0x8000004A;
	s16 =	sor.u32 $0x1C02, s16;
	s11 =	sshrl.u32 s6, $0x1  }
0xa: {  	s12 =	sadd.s32 s5, s4;
	s17 =	sadd.s32 s10, s8;
	s11 =	ssub.s32 s6, s11  }
0xb: {  	s31 =	sadd.s32 s10, s9;
	s4 =	sadd.s32 $0x16600, s12;
	s5 =	sadd.s32 $0xC800, s12  }
0xc: {  	s6 =	sadd.s32 $0x2A00, s12;
	s10 =	simm.s32 $0x4E70;
	s12 =	simm.s32 $0x50  }
0xd: {  	s17 =	sshrl.u32 s17, $0x3;
	s9 =	sshrl.u32 s31, $0x3;
	s8 =	smax.u32 s11, $0x1  }
0xe: {  	s11 =	simm.s32 $0x9CE0;
	s7 =	sadd.s32 s7, s9;
	s9 =	simm.s32 $0x2  }
.LBB2_1:
0xf: {  	[tilespmem:s3], [sflag:$0x2] =	stream.linear.gather [hbm4b:s4+s3], $0x4E70, $0x38;
	[tilespmem:$0x1DB50] =	vst v63  }
0x10: {  	_ =	swait.ge [sflag:s9], $0x4E70  }
0x11: {  	[sflag:s9] =	ssyncset.done $0x0  }
0x12: {  	[sflag:s9] =	ssyncadd.s32 $0xFFFFB190  }
0x13: {  	[tilespmem:s10], [sflag:$0x2] =	stream.linear.gather [hbm4b:s5+s3], $0x4E70, $0x38;
	[tilespmem:$0x1DB50] =	vst v63  }
0x14: {  	_ =	swait.ge [sflag:s9], $0x4E70  }
0x15: {  	[sflag:s9] =	ssyncset.done $0x0  }
0x16: {  	[sflag:s9] =	ssyncadd.s32 $0xFFFFB190  }
0x17: {  	[tilespmem:s11], [sflag:$0x2] =	stream.linear.gather [hbm4b:s6+s3], $0x4E70, $0x38;
	[tilespmem:$0x1DB50] =	vst v63  }
0x18: {  	_ =	swait.ge [sflag:s9], $0x4E70  }
0x19: {  	[sflag:s9] =	ssyncset.done $0x0  }
0x1a: {  	[sflag:s9] =	ssyncadd.s32 $0xFFFFB190  }
0x1b: {  	[tilespmem:s13], [sflag:$0x1] =	stream.indirect.gather [hbm4b:s1+s12], $0x80, s3, s12, $0xb8;
	[tilespmem:$0x1DB50] =	vst v63  }
0x1c: {  	_ =	swait.ge [sflag:s14], $0x2800  }
0x1d: {  	[sflag:s14] =	ssyncset.done $0x0  }
0x1e: {  	s19 =	simm.s32 $0x50;
	[sflag:s14] =	ssyncadd.s32 $0xFFFFD800  }
0x1f: {  	[tilespmem:s15], [sflag:$0x1] =	stream.indirect.gather [hbm4b:s1+s12], $0x80, s19, s12, $0xb8;
	[tilespmem:$0x1DB50] =	vst v63  }
0x20: {  	_ =	swait.ge [sflag:s14], $0x2800  }
0x21: {  	[sflag:s14] =	ssyncset.done $0x0  }
0x22: {  	s20 =	simm.s32 $0xA0;
	s19 =	simm.s32 $0xFFFECA00;
	[sflag:s14] =	ssyncadd.s32 $0xFFFFD800  }
.LBB2_2:
0x23: {  	[tilespmem:s13], [sflag:$0x1] =	stream.indirect.gather [hbm4b:s1+s12], $0x80, s20, s12, $0xb8;
	[tilespmem:$0x1DB50] =	vst v63  }
0x24: {  	s20 =	smov.u32 s19  }
0x25: {  	p0 =	sne.s32 s19, $0xFFFFFD80;
	s19 =	sadd.s32 $0x280, s19;
	_ =	swait.ge [sflag:s14], $0x2800  }
0x26: {  	s20 =	sshra.s32 s20, $0x2;
	[sflag:s14] =	ssyncset.done $0x0  }
.Ltmp0:
0x27: {  	s21 =	sadd.s32 $0x4E70, s20;
	[sflag:s14] =	ssyncadd.s32 $0xFFFFD800;
	(pc) =	sbr.rel @p0 .LBB2_2-.Ltmp0, $4  }
0x28: {  	[tilespmem:s15], [sflag:$0x1] =	stream.indirect.gather [hbm4b:s1+s12], $0x80, s21, s12, $0xb8;
	[tilespmem:$0x1DB50] =	vst v63  }
0x29: {  	_ =	swait.ge [sflag:s14], $0x2800  }
0x2a: {  	[sflag:s14] =	ssyncset.done $0x0  }
0x2b: {  	s20 =	sadd.s32 $0x4EC0, s20;
	[sflag:s14] =	ssyncadd.s32 $0xFFFFD800  }
0x2c: {  	[tilespmem:s13], [sflag:$0x1] =	stream.indirect.gather [hbm4b:s1+s12], $0x80, s20, s12, $0xb8;
	[tilespmem:$0x1DB50] =	vst v63  }
0x2d: {  	_ =	swait.ge [sflag:s14], $0x2800  }
0x2e: {  	s18 =	sadd.s32 $0x1, s18;
	[sflag:s14] =	ssyncset.done $0x0  }
0x2f: {  	p0 =	sne.s32 s18, s8;
	[sflag:s14] =	ssyncadd.s32 $0xFFFFD800  }
.Ltmp1:
0x30: {  	[bflag:$0x0] =	sbarrier.arrive $0xFFFF;
	(pc) =	sbr.rel @p0 .LBB2_1-.Ltmp1, $4  }
0x31: {  	[hbm:s7], [sflag:s16] =	dma.local [spmem:s17], $0x1400  }
0x32: {  	_ =	swait.ge [sflag:s9], $0x1400  }
0x33: {  	[sflag:s9] =	ssyncset.done $0x0  }
0x34: {  	[sflag:s9] =	ssyncadd.s32 $0xFFFFEC00  }
0x35: {  	_ =	sfence.sel $0x180000  }
0x36: {  	[bflag:$0x0] =	sbarrier.arrive $0xFFFF  }
0x37: {  	p0 =	sne.s32 s0, $0x0;
	_ =	strace $0x9000004A  }
0x38: {  	s0 =	sadd.s32 @!p0 $0x100000, s2;
	[bflag:$0x2] =	sbarrier.arrive $0xFFFF  }
0x39: {  	[sflag:s0] =	ssyncadd.tile.s32 @!p0 $0x1;
	_ =	shalt  }
.Lfunc_end2:
_tile_overlayer_lowered:
.L_overlay_start_2:
0x3a: {  	(tag) =	ssettag $0x2  }
0x3b: {  	s0 =	rddreg [dreg:$0x0];
	s2 =	stileid.u32  }
0x3c: {  	s1 =	rddreg [dreg:$0x1];
	p0 =	sne.s32 s2, $0x0  }
0x3d: {  	s3 =	rddreg [dreg:$0x2];
	[bflag:$0x3] =	sbarrier.arrive $0xFFFF;
	s2 =	simm.s32 @!p0 $0x1C02  }
0x3e: {  	[timem:s3], [sflag:s2] =	dma.local @!p0 [hbm:s0], s1  }
0x3f: {  	s0 =	simm.s32 @!p0 $0x2  }
0x40: {  	_ =	swait.ge @!p0 [sflag:s0], s1  }
0x41: {  	s1 =	ssub.s32 @!p0 $0x0, s1;
	[sflag:s0] =	ssyncset.done @!p0 $0x0  }
0x42: {  	[sflag:s0] =	ssyncadd.s32 @!p0 s1  }
0x43: {  	[bflag:$0x3] =	sbarrier.arrive $0xFFFF  }
0x44: {  	_ =	shalt  }

</sc_bundles>
